<compile_context>
chip_gen: v7x
topology: tpu7x:2x2x1
jax: 0.10.2.dev20260603
libtpu: 0.0.44.dev20260713+nightly
codegen_flags: <defaults>
</compile_context>

<pallas_src>
import functools

import jax
import jax.numpy as jnp
from jax import lax
from jax.experimental import pallas as pl
from jax.experimental.pallas import tpu as pltpu
from jax.experimental.pallas import tpu_sc as plsc

N = 10000
E = 320000
D = 128
R = 4

NC = 2
NS = 16
NW = NC * NS

CHUNK = 50
CPT0 = 200
CPT1 = 200
E0 = NS * CPT0 * CHUNK
N_PAD = 10112
ROWS_PT = N_PAD // NS
ROW_CHUNKS = [(0, 128), (128, 128), (256, 128), (384, 128), (512, 120)]

BN = 1000
NB = N // BN
NROWS = E // CHUNK


def _table_body(x_ref, w_ref, o_ref):
    o_ref[...] = jnp.dot(x_ref[...], w_ref[0], preferred_element_type=jnp.float32)


def _make_table(x, W_rel):
    bn = 1000
    nb = N // bn
    return pl.pallas_call(
        _table_body,
        grid=(nb, R),
        in_specs=[
            pl.BlockSpec((bn, D), lambda i, r: (i, 0)),
            pl.BlockSpec((1, D, D), lambda i, r: (r, 0, 0)),
        ],
        out_specs=pl.BlockSpec((bn, D), lambda i, r: (r * nb + i, 0)),
        out_shape=jax.ShapeDtypeStruct((R * N, D), jnp.float32),
    )(x, W_rel)


def _gidx_body(src_ref, et_ref, o_ref):
    o_ref[...] = et_ref[...] * N + src_ref[: E // 128]


def _make_gidx(eidx2d, et2d):
    nrows = E // 128
    return pl.pallas_call(
        _gidx_body,
        grid=(1,),
        in_specs=[
            pl.BlockSpec((2 * nrows, 128), lambda i: (0, 0)),
            pl.BlockSpec((nrows, 128), lambda i: (0, 0)),
        ],
        out_specs=pl.BlockSpec((nrows, 128), lambda i: (0, 0)),
        out_shape=jax.ShapeDtypeStruct((nrows, 128), jnp.int32),
    )(eidx2d, et2d)


def _sc_agg_body(table_hbm, gidx_hbm, didx_hbm, zrow_hbm,
                 agg_out,
                 gidx_v, didx_v, rows0_v, rows1_v,
                 agg_sh, sem0, sem1):
    c = lax.axis_index("c")
    s = lax.axis_index("s")
    w = c * NS + s
    base = s * ROWS_PT

    for off, sz in ROW_CHUNKS:
        pltpu.sync_copy(zrow_hbm.at[pl.ds(0, sz)], agg_sh.at[pl.ds(base + off, sz)])

    @pl.when(c == 0)
    def _():
        row = s * CPT0
        pltpu.sync_copy(gidx_hbm.at[pl.ds(row, CPT0)], gidx_v)
        pltpu.sync_copy(didx_hbm.at[pl.ds(NROWS + row, CPT0)], didx_v)

    @pl.when(c != 0)
    def _():
        row = NS * CPT0 + s * CPT1
        pltpu.sync_copy(gidx_hbm.at[pl.ds(row, CPT1)], gidx_v.at[pl.ds(0, CPT1)])
        pltpu.sync_copy(didx_hbm.at[pl.ds(NROWS + row, CPT1)],
                        didx_v.at[pl.ds(0, CPT1)])

    plsc.subcore_barrier()

    bufs = (rows0_v, rows1_v)
    sems = (sem0, sem1)
    cpt = lax.select(c == 0, CPT0, CPT1)

    pltpu.async_copy(table_hbm.at[gidx_v.at[0]], rows0_v, sem0)
    pltpu.async_copy(table_hbm.at[gidx_v.at[1]], rows1_v, sem1)

    def body(j2, carry):
        for k in range(2):
            j = j2 * 2 + k
            buf, sm = bufs[k], sems[k]
            pltpu.make_async_copy(table_hbm.at[gidx_v.at[j]], buf, sm).wait()
            pltpu.sync_copy(buf, agg_sh.at[didx_v.at[j]], add=True)

            @pl.when(j + 2 < carry)
            def _():
                pltpu.async_copy(table_hbm.at[gidx_v.at[j + 2]], buf, sm)
        return carry

    lax.fori_loop(0, cpt // 2, body, cpt)

    plsc.subcore_barrier()

    for off, sz in ROW_CHUNKS:
        pltpu.sync_copy(agg_sh.at[pl.ds(base + off, sz)], agg_out.at[c, pl.ds(base + off, sz)])


def _sc_aggregate(table, gidx3, didx3, zrow):
    mesh = plsc.VectorSubcoreMesh(core_axis_name="c", subcore_axis_name="s",
                                  num_cores=NC, num_subcores=NS)
    fn = functools.partial(
        pl.kernel,
        out_type=jax.ShapeDtypeStruct((NC, N_PAD, D), jnp.float32),
        mesh=mesh,
        scratch_types=[
            pltpu.VMEM((CPT0, CHUNK), jnp.int32),
            pltpu.VMEM((CPT0, CHUNK), jnp.int32),
            pltpu.VMEM((CHUNK, D), jnp.float32),
            pltpu.VMEM((CHUNK, D), jnp.float32),
            pltpu.VMEM_SHARED((N_PAD, D), jnp.float32),
            pltpu.SemaphoreType.DMA,
            pltpu.SemaphoreType.DMA,
        ],
        compiler_params=pltpu.CompilerParams(use_tc_tiling_on_sc=False),
    )(_sc_agg_body)
    return fn(table, gidx3, didx3, zrow)


def _sc_deg_body(didx_hbm, ones_hbm, z16_hbm,
                 deg_out,
                 didx_v, ones_v,
                 deg_sh):
    c = lax.axis_index("c")
    s = lax.axis_index("s")
    w = c * NS + s
    base = s * ROWS_PT

    pltpu.sync_copy(ones_hbm, ones_v)
    for off, sz in ROW_CHUNKS:
        pltpu.sync_copy(z16_hbm.at[pl.ds(0, sz)], deg_sh.at[pl.ds(base + off, sz)])

    @pl.when(c == 0)
    def _():
        pltpu.sync_copy(didx_hbm.at[pl.ds(NROWS + s * CPT0, CPT0)], didx_v)

    @pl.when(c != 0)
    def _():
        pltpu.sync_copy(didx_hbm.at[pl.ds(NROWS + NS * CPT0 + s * CPT1, CPT1)],
                        didx_v.at[pl.ds(0, CPT1)])

    plsc.subcore_barrier()

    def body(j, carry):
        pltpu.sync_copy(ones_v, deg_sh.at[didx_v.at[j]], add=True)
        return carry

    lax.fori_loop(0, lax.select(c == 0, CPT0, CPT1), body, 0)

    plsc.subcore_barrier()

    for off, sz in ROW_CHUNKS:
        pltpu.sync_copy(deg_sh.at[pl.ds(base + off, sz)], deg_out.at[c, pl.ds(base + off, sz)])


def _sc_degrees(didx3, ones16, z16):
    mesh = plsc.VectorSubcoreMesh(core_axis_name="c", subcore_axis_name="s",
                                  num_cores=NC, num_subcores=NS)
    fn = functools.partial(
        pl.kernel,
        out_type=jax.ShapeDtypeStruct((NC, N_PAD, 16), jnp.float32),
        mesh=mesh,
        scratch_types=[
            pltpu.VMEM((CPT0, CHUNK), jnp.int32),
            pltpu.VMEM((CHUNK, 16), jnp.float32),
            pltpu.VMEM_SHARED((N_PAD, 16), jnp.float32),
        ],
        compiler_params=pltpu.CompilerParams(use_tc_tiling_on_sc=False),
    )(_sc_deg_body)
    return fn(didx3, ones16, z16)


def _h_body(aggp_ref, degp_ref, x_ref, ws_ref, b_ref, h_ref, stats_ref, acc_ref):
    i = pl.program_id(0)

    agg = aggp_ref[0] + aggp_ref[1]
    deg = degp_ref[0, :, 0:1] + degp_ref[1, :, 0:1]
    deg = jnp.maximum(deg, 1.0)
    self_part = jnp.dot(x_ref[...], ws_ref[...], preferred_element_type=jnp.float32)
    h = jnp.maximum(agg / deg + self_part + b_ref[...], 0.0)
    h_ref[...] = h

    rm = jnp.sum(h, axis=1, keepdims=True) * (1.0 / D)
    diff = h - rm
    rv = jnp.sum(diff * diff, axis=1, keepdims=True) * (1.0 / D)
    rs = jnp.sqrt(rv)

    pm = jnp.sum(rm)
    pm2 = jnp.sum(rm * rm)
    ps = jnp.sum(rs)
    ps2 = jnp.sum(rs * rs)

    @pl.when(i == 0)
    def _():
        acc_ref[0] = 0.0
        acc_ref[1] = 0.0
        acc_ref[2] = 0.0
        acc_ref[3] = 0.0

    acc_ref[0] += pm
    acc_ref[1] += pm2
    acc_ref[2] += ps
    acc_ref[3] += ps2

    @pl.when(i == NB - 1)
    def _():
        inv_n = 1.0 / N
        mu_m = acc_ref[0] * inv_n
        var_m = jnp.maximum(acc_ref[1] * inv_n - mu_m * mu_m, 0.0)
        mu_s = acc_ref[2] * inv_n
        var_s = jnp.maximum(acc_ref[3] * inv_n - mu_s * mu_s, 0.0)
        std_mu = jnp.sqrt(var_m)
        std_var = jnp.sqrt(var_s)
        row = lax.broadcasted_iota(jnp.int32, (8, 128), 0)
        stats_ref[...] = jnp.where(row == 0, std_mu, std_var)


def _make_h(aggp, degp, x, W_self, b2):
    return pl.pallas_call(
        _h_body,
        grid=(NB,),
        in_specs=[
            pl.BlockSpec((2, BN, D), lambda i: (0, i, 0)),
            pl.BlockSpec((2, BN, 16), lambda i: (0, i, 0)),
            pl.BlockSpec((BN, D), lambda i: (i, 0)),
            pl.BlockSpec((D, D), lambda i: (0, 0)),
            pl.BlockSpec((1, D), lambda i: (0, 0)),
        ],
        out_specs=[
            pl.BlockSpec((BN, D), lambda i: (i, 0)),
            pl.BlockSpec((8, 128), lambda i: (0, 0)),
        ],
        out_shape=[
            jax.ShapeDtypeStruct((N, D), jnp.float32),
            jax.ShapeDtypeStruct((8, 128), jnp.float32),
        ],
        scratch_shapes=[pltpu.SMEM((4,), jnp.float32)],
    )(aggp, degp, x, W_self, b2)


def _z_body(h_ref, stats_ref, eb_ref, eg_ref, z_ref):
    h = h_ref[...]
    rm = jnp.sum(h, axis=1, keepdims=True) * (1.0 / D)
    diff = h - rm
    rv = jnp.sum(diff * diff, axis=1, keepdims=True) * (1.0 / D)
    rs = jnp.sqrt(rv)
    std_mu = stats_ref[0, 0]
    std_var = stats_ref[1, 0]
    beta = rm + eb_ref[...] * std_mu
    gam = rs + eg_ref[...] * std_var
    z_ref[...] = beta + gam * (diff / (rs + 1e-05))


def _make_z(h, stats, eps_beta, eps_gam):
    return pl.pallas_call(
        _z_body,
        grid=(NB,),
        in_specs=[
            pl.BlockSpec((BN, D), lambda i: (i, 0)),
            pl.BlockSpec((8, 128), lambda i: (0, 0)),
            pl.BlockSpec((BN, 1), lambda i: (i, 0)),
            pl.BlockSpec((BN, 1), lambda i: (i, 0)),
        ],
        out_specs=pl.BlockSpec((BN, D), lambda i: (i, 0)),
        out_shape=jax.ShapeDtypeStruct((N, D), jnp.float32),
    )(h, stats, eps_beta, eps_gam)


def kernel(x, edge_index, edge_type, W_rel, W_self, b, eps_beta, eps_gam):
    eidx128 = edge_index.reshape(2 * (E // 128), 128)
    eidx80 = edge_index.reshape(2 * NROWS, CHUNK)

    table = _make_table(x, W_rel)
    gidx = _make_gidx(eidx128, edge_type.reshape(E // 128, 128))
    gidx3 = gidx.reshape(NROWS, CHUNK)
    didx3 = eidx80

    zrow = jnp.zeros((128, D), jnp.float32)
    ones16 = jnp.ones((CHUNK, 16), jnp.float32)
    z16 = jnp.zeros((128, 16), jnp.float32)

    aggp = _sc_aggregate(table, gidx3, didx3, zrow)
    degp = _sc_degrees(didx3, ones16, z16)

    b2 = b.reshape(1, D)
    h, stats = _make_h(aggp, degp, x, W_self, b2)
    z = _make_z(h, stats, eps_beta, eps_gam)
    return (h, z)

# --- scband reference (transcript-rebuilt; emitter-appended) ---
"""Pipeline reference for scband-dsg-28209345200351 (READ-ONLY COPY).

The authoritative reference and input builder live on the scoring server;
editing this copy changes nothing except your own understanding.
"""

import jax, jax.numpy as jnp
import numpy as np

N = 10000
E = 320000
D = 128
R = 4


def setup_inputs(seed: int = 0) -> dict:
    key = jax.random.key(seed)
    ks = jax.random.split(key, 8)
    x = jax.random.normal(ks[0], (N, D), dtype=jnp.float32)
    edge_index = jax.random.randint(ks[1], (2, E), 0, N, dtype=jnp.int32)
    edge_type = jax.random.randint(ks[2], (E,), 0, R, dtype=jnp.int32)
    W_rel = jax.random.normal(ks[3], (R, D, D), dtype=jnp.float32) * (1.0 / np.sqrt(D))
    W_self = jax.random.normal(ks[4], (D, D), dtype=jnp.float32) * (1.0 / np.sqrt(D))
    b = jnp.zeros((D,), dtype=jnp.float32)
    eps_beta = jax.random.normal(ks[5], (N, 1), dtype=jnp.float32)
    eps_gam = jax.random.normal(ks[6], (N, 1), dtype=jnp.float32)
    return {"x": x, "edge_index": edge_index, "edge_type": edge_type,
            "W_rel": W_rel, "W_self": W_self, "b": b,
            "eps_beta": eps_beta, "eps_gam": eps_gam}


def _rgcn(x, edge_index, edge_type, W_rel, W_self, b):
    # Relational GCN layer: per-relation transform, gather from src, mean-aggregate at dst, plus self-loop.
    src = edge_index[0]
    dst = edge_index[1]
    xW = jnp.einsum('nd,rde->rne', x, W_rel)          # [R, N, D]
    msgs = xW[edge_type, src]                          # [E, D] gather (SparseCore-friendly)
    agg = jax.ops.segment_sum(msgs, dst, num_segments=N)
    deg = jax.ops.segment_sum(jnp.ones((E,), jnp.float32), dst, num_segments=N)
    agg = agg / jnp.maximum(deg, 1.0)[:, None]
    return jax.nn.relu(agg + x @ W_self + b)


def reference(x, edge_index, edge_type, W_rel, W_self, b, eps_beta, eps_gam):
    eps = 1e-05
    h = _rgcn(x, edge_index, edge_type, W_rel, W_self, b)
    # DSG forward: per-node feature statistics + stochastic renormalization
    mean = jnp.mean(h, axis=1, keepdims=True)          # torch.mean(h, dim=1)
    std = jnp.std(h, axis=1, keepdims=True)            # correction=0 -> population std (jnp default)
    mean_e = jnp.broadcast_to(mean, h.shape)           # unsqueeze(1).expand_as(h)
    std_e = jnp.broadcast_to(std, h.shape)
    std_mu = jnp.std(mean_e, axis=0, keepdims=True)    # [1, D]
    std_var = jnp.std(std_e, axis=0, keepdims=True)    # [1, D]
    beta = mean_e + eps_beta * std_mu                  # sampling(mean, std_mu) with eps ~ N(0,1) [N,1]
    gam = std_e + eps_gam * std_var                    # sampling(std, std_var)
    z = beta + gam * ((h - mean_e) / (std_e + eps))
    return (h, z)

if __name__ == "__main__":
    import jax
    _d = setup_inputs()
    print(jax.jit(kernel)(*tuple(_d.values())))

</pallas_src>

<mosaic_0001>
#map = affine_map<(d0, d1) -> (0, 0)>
#map1 = affine_map<(d0, d1) -> (0, 0, 0)>
module attributes {stable_mosaic.version = 14 : i64} {
  func.func @_sc_deg_body(%arg0: i32, %arg1: i32, %arg2: memref<12800x50xi32, #tpu.memory_space<hbm>>, %arg3: memref<50x16xf32, #tpu.memory_space<hbm>>, %arg4: memref<128x16xf32, #tpu.memory_space<hbm>>, %arg5: memref<2x10112x16xf32, #tpu.memory_space<hbm>>, %arg6: memref<200x50xi32, #tpu.memory_space<vmem>>, %arg7: memref<50x16xf32, #tpu.memory_space<vmem>>, %arg8: memref<10112x16xf32, #tpu.memory_space<vmem_shared>>) attributes {dimension_semantics = [#tpu.dimension_semantics<core_parallel>, #tpu.dimension_semantics<subcore_parallel>], iteration_bounds = array<i64: 2, 16>, scalar_prefetch = 0 : i64, scratch_operands = 3 : i64, tpu.core_type = #tpu.core_type<sc_vector_subcore>, window_params = [{transform_indices = #map}, {transform_indices = #map}, {transform_indices = #map}, {transform_indices = #map1}]} {
    %mul3A = arith.constant 16 : i32
    %mul3A_0 = arith.muli %arg0, %mul3A : i32
    %add3A = arith.addi %mul3A_0, %arg1 : i32
    %mul3A_1 = arith.constant 632 : i32
    %mul3A_2 = arith.muli %arg1, %mul3A_1 : i32
    "tpu.region"() ({
      %run_scoped3A = tpu.sem_alloc : memref<!tpu.dma_semaphore, #tpu.memory_space<semaphore_mem>>
      tpu.enqueue_dma source(%arg3 : memref<50x16xf32, #tpu.memory_space<hbm>>) target(%arg7 : memref<50x16xf32, #tpu.memory_space<vmem>>) target_semaphore(%run_scoped3A : memref<!tpu.dma_semaphore, #tpu.memory_space<semaphore_mem>>)
      tpu.wait_dma2 semaphore(%run_scoped3A : memref<!tpu.dma_semaphore, #tpu.memory_space<semaphore_mem>>) src(%arg3 : memref<50x16xf32, #tpu.memory_space<hbm>>) dst(%arg7 : memref<50x16xf32, #tpu.memory_space<vmem>>)
      tpu.yield
    }) : () -> ()
    %add3A_3 = arith.constant 0 : i32
    %add3A_4 = arith.addi %mul3A_2, %add3A_3 : i32
    "tpu.region"() ({
      %run_scoped3A = tpu.sem_alloc : memref<!tpu.dma_semaphore, #tpu.memory_space<semaphore_mem>>
      %dma_start3A = arith.constant 0 : i32
      %dma_start3A_53 = tpu.memref_slice %arg8[%add3A_4, %dma_start3A] : memref<10112x16xf32, #tpu.memory_space<vmem_shared>> -> memref<128x16xf32, #tpu.memory_space<vmem_shared>>
      %dma_start3A_54 = arith.constant 0 : i32
      %dma_start3A_55 = arith.constant 0 : i32
      %dma_start3A_56 = tpu.memref_slice %arg4[%dma_start3A_54, %dma_start3A_55] : memref<128x16xf32, #tpu.memory_space<hbm>> -> memref<128x16xf32, #tpu.memory_space<hbm>>
      tpu.enqueue_dma source(%dma_start3A_56 : memref<128x16xf32, #tpu.memory_space<hbm>>) target(%dma_start3A_53 : memref<128x16xf32, #tpu.memory_space<vmem_shared>>) target_semaphore(%run_scoped3A : memref<!tpu.dma_semaphore, #tpu.memory_space<semaphore_mem>>)
      %dma_wait3A = arith.constant 0 : i32
      %dma_wait3A_57 = tpu.memref_slice %arg8[%add3A_4, %dma_wait3A] : memref<10112x16xf32, #tpu.memory_space<vmem_shared>> -> memref<128x16xf32, #tpu.memory_space<vmem_shared>>
      %dma_wait3A_58 = arith.constant 0 : i32
      %dma_wait3A_59 = arith.constant 0 : i32
      %dma_wait3A_60 = tpu.memref_slice %arg4[%dma_wait3A_58, %dma_wait3A_59] : memref<128x16xf32, #tpu.memory_space<hbm>> -> memref<128x16xf32, #tpu.memory_space<hbm>>
      tpu.wait_dma2 semaphore(%run_scoped3A : memref<!tpu.dma_semaphore, #tpu.memory_space<semaphore_mem>>) src(%dma_wait3A_60 : memref<128x16xf32, #tpu.memory_space<hbm>>) dst(%dma_wait3A_57 : memref<128x16xf32, #tpu.memory_space<vmem_shared>>)
      tpu.yield
    }) : () -> ()
    %add3A_5 = arith.constant 128 : i32
    %add3A_6 = arith.addi %mul3A_2, %add3A_5 : i32
    "tpu.region"() ({
      %run_scoped3A = tpu.sem_alloc : memref<!tpu.dma_semaphore, #tpu.memory_space<semaphore_mem>>
      %dma_start3A = arith.constant 0 : i32
      %dma_start3A_53 = tpu.memref_slice %arg8[%add3A_6, %dma_start3A] : memref<10112x16xf32, #tpu.memory_space<vmem_shared>> -> memref<128x16xf32, #tpu.memory_space<vmem_shared>>
      %dma_start3A_54 = arith.constant 0 : i32
      %dma_start3A_55 = arith.constant 0 : i32
      %dma_start3A_56 = tpu.memref_slice %arg4[%dma_start3A_54, %dma_start3A_55] : memref<128x16xf32, #tpu.memory_space<hbm>> -> memref<128x16xf32, #tpu.memory_space<hbm>>
      tpu.enqueue_dma source(%dma_start3A_56 : memref<128x16xf32, #tpu.memory_space<hbm>>) target(%dma_start3A_53 : memref<128x16xf32, #tpu.memory_space<vmem_shared>>) target_semaphore(%run_scoped3A : memref<!tpu.dma_semaphore, #tpu.memory_space<semaphore_mem>>)
      %dma_wait3A = arith.constant 0 : i32
      %dma_wait3A_57 = tpu.memref_slice %arg8[%add3A_6, %dma_wait3A] : memref<10112x16xf32, #tpu.memory_space<vmem_shared>> -> memref<128x16xf32, #tpu.memory_space<vmem_shared>>
      %dma_wait3A_58 = arith.constant 0 : i32
      %dma_wait3A_59 = arith.constant 0 : i32
      %dma_wait3A_60 = tpu.memref_slice %arg4[%dma_wait3A_58, %dma_wait3A_59] : memref<128x16xf32, #tpu.memory_space<hbm>> -> memref<128x16xf32, #tpu.memory_space<hbm>>
      tpu.wait_dma2 semaphore(%run_scoped3A : memref<!tpu.dma_semaphore, #tpu.memory_space<semaphore_mem>>) src(%dma_wait3A_60 : memref<128x16xf32, #tpu.memory_space<hbm>>) dst(%dma_wait3A_57 : memref<128x16xf32, #tpu.memory_space<vmem_shared>>)
      tpu.yield
    }) : () -> ()
    %add3A_7 = arith.constant 256 : i32
    %add3A_8 = arith.addi %mul3A_2, %add3A_7 : i32
    "tpu.region"() ({
      %run_scoped3A = tpu.sem_alloc : memref<!tpu.dma_semaphore, #tpu.memory_space<semaphore_mem>>
      %dma_start3A = arith.constant 0 : i32
      %dma_start3A_53 = tpu.memref_slice %arg8[%add3A_8, %dma_start3A] : memref<10112x16xf32, #tpu.memory_space<vmem_shared>> -> memref<128x16xf32, #tpu.memory_space<vmem_shared>>
      %dma_start3A_54 = arith.constant 0 : i32
      %dma_start3A_55 = arith.constant 0 : i32
      %dma_start3A_56 = tpu.memref_slice %arg4[%dma_start3A_54, %dma_start3A_55] : memref<128x16xf32, #tpu.memory_space<hbm>> -> memref<128x16xf32, #tpu.memory_space<hbm>>
      tpu.enqueue_dma source(%dma_start3A_56 : memref<128x16xf32, #tpu.memory_space<hbm>>) target(%dma_start3A_53 : memref<128x16xf32, #tpu.memory_space<vmem_shared>>) target_semaphore(%run_scoped3A : memref<!tpu.dma_semaphore, #tpu.memory_space<semaphore_mem>>)
      %dma_wait3A = arith.constant 0 : i32
      %dma_wait3A_57 = tpu.memref_slice %arg8[%add3A_8, %dma_wait3A] : memref<10112x16xf32, #tpu.memory_space<vmem_shared>> -> memref<128x16xf32, #tpu.memory_space<vmem_shared>>
      %dma_wait3A_58 = arith.constant 0 : i32
      %dma_wait3A_59 = arith.constant 0 : i32
      %dma_wait3A_60 = tpu.memref_slice %arg4[%dma_wait3A_58, %dma_wait3A_59] : memref<128x16xf32, #tpu.memory_space<hbm>> -> memref<128x16xf32, #tpu.memory_space<hbm>>
      tpu.wait_dma2 semaphore(%run_scoped3A : memref<!tpu.dma_semaphore, #tpu.memory_space<semaphore_mem>>) src(%dma_wait3A_60 : memref<128x16xf32, #tpu.memory_space<hbm>>) dst(%dma_wait3A_57 : memref<128x16xf32, #tpu.memory_space<vmem_shared>>)
      tpu.yield
    }) : () -> ()
    %add3A_9 = arith.constant 384 : i32
    %add3A_10 = arith.addi %mul3A_2, %add3A_9 : i32
    "tpu.region"() ({
      %run_scoped3A = tpu.sem_alloc : memref<!tpu.dma_semaphore, #tpu.memory_space<semaphore_mem>>
      %dma_start3A = arith.constant 0 : i32
      %dma_start3A_53 = tpu.memref_slice %arg8[%add3A_10, %dma_start3A] : memref<10112x16xf32, #tpu.memory_space<vmem_shared>> -> memref<128x16xf32, #tpu.memory_space<vmem_shared>>
      %dma_start3A_54 = arith.constant 0 : i32
      %dma_start3A_55 = arith.constant 0 : i32
      %dma_start3A_56 = tpu.memref_slice %arg4[%dma_start3A_54, %dma_start3A_55] : memref<128x16xf32, #tpu.memory_space<hbm>> -> memref<128x16xf32, #tpu.memory_space<hbm>>
      tpu.enqueue_dma source(%dma_start3A_56 : memref<128x16xf32, #tpu.memory_space<hbm>>) target(%dma_start3A_53 : memref<128x16xf32, #tpu.memory_space<vmem_shared>>) target_semaphore(%run_scoped3A : memref<!tpu.dma_semaphore, #tpu.memory_space<semaphore_mem>>)
      %dma_wait3A = arith.constant 0 : i32
      %dma_wait3A_57 = tpu.memref_slice %arg8[%add3A_10, %dma_wait3A] : memref<10112x16xf32, #tpu.memory_space<vmem_shared>> -> memref<128x16xf32, #tpu.memory_space<vmem_shared>>
      %dma_wait3A_58 = arith.constant 0 : i32
      %dma_wait3A_59 = arith.constant 0 : i32
      %dma_wait3A_60 = tpu.memref_slice %arg4[%dma_wait3A_58, %dma_wait3A_59] : memref<128x16xf32, #tpu.memory_space<hbm>> -> memref<128x16xf32, #tpu.memory_space<hbm>>
      tpu.wait_dma2 semaphore(%run_scoped3A : memref<!tpu.dma_semaphore, #tpu.memory_space<semaphore_mem>>) src(%dma_wait3A_60 : memref<128x16xf32, #tpu.memory_space<hbm>>) dst(%dma_wait3A_57 : memref<128x16xf32, #tpu.memory_space<vmem_shared>>)
      tpu.yield
    }) : () -> ()
    %add3A_11 = arith.constant 512 : i32
    %add3A_12 = arith.addi %mul3A_2, %add3A_11 : i32
    "tpu.region"() ({
      %run_scoped3A = tpu.sem_alloc : memref<!tpu.dma_semaphore, #tpu.memory_space<semaphore_mem>>
      %dma_start3A = arith.constant 0 : i32
      %dma_start3A_53 = tpu.memref_slice %arg8[%add3A_12, %dma_start3A] : memref<10112x16xf32, #tpu.memory_space<vmem_shared>> -> memref<120x16xf32, #tpu.memory_space<vmem_shared>>
      %dma_start3A_54 = arith.constant 0 : i32
      %dma_start3A_55 = arith.constant 0 : i32
      %dma_start3A_56 = tpu.memref_slice %arg4[%dma_start3A_54, %dma_start3A_55] : memref<128x16xf32, #tpu.memory_space<hbm>> -> memref<120x16xf32, #tpu.memory_space<hbm>>
      tpu.enqueue_dma source(%dma_start3A_56 : memref<120x16xf32, #tpu.memory_space<hbm>>) target(%dma_start3A_53 : memref<120x16xf32, #tpu.memory_space<vmem_shared>>) target_semaphore(%run_scoped3A : memref<!tpu.dma_semaphore, #tpu.memory_space<semaphore_mem>>)
      %dma_wait3A = arith.constant 0 : i32
      %dma_wait3A_57 = tpu.memref_slice %arg8[%add3A_12, %dma_wait3A] : memref<10112x16xf32, #tpu.memory_space<vmem_shared>> -> memref<120x16xf32, #tpu.memory_space<vmem_shared>>
      %dma_wait3A_58 = arith.constant 0 : i32
      %dma_wait3A_59 = arith.constant 0 : i32
      %dma_wait3A_60 = tpu.memref_slice %arg4[%dma_wait3A_58, %dma_wait3A_59] : memref<128x16xf32, #tpu.memory_space<hbm>> -> memref<120x16xf32, #tpu.memory_space<hbm>>
      tpu.wait_dma2 semaphore(%run_scoped3A : memref<!tpu.dma_semaphore, #tpu.memory_space<semaphore_mem>>) src(%dma_wait3A_60 : memref<120x16xf32, #tpu.memory_space<hbm>>) dst(%dma_wait3A_57 : memref<120x16xf32, #tpu.memory_space<vmem_shared>>)
      tpu.yield
    }) : () -> ()
    %eq3A = arith.constant 0 : i32
    %eq3A_13 = arith.cmpi eq, %arg0, %eq3A : i32
    %convert_element_type3A = arith.extui %eq3A_13 : i1 to i32
    %cond3A = arith.constant 0 : i32
    %cond3A_14 = arith.cmpi ne, %convert_element_type3A, %cond3A : i32
    scf.if %cond3A_14 {
      %mul3A_53 = arith.constant 200 : i32
      %mul3A_54 = arith.muli %arg1, %mul3A_53 : i32
      %add3A_55 = arith.constant 6400 : i32
      %add3A_56 = arith.addi %add3A_55, %mul3A_54 : i32
      "tpu.region"() ({
        %run_scoped3A = tpu.sem_alloc : memref<!tpu.dma_semaphore, #tpu.memory_space<semaphore_mem>>
        %dma_start3A = arith.constant 0 : i32
        %dma_start3A_57 = tpu.memref_slice %arg2[%add3A_56, %dma_start3A] : memref<12800x50xi32, #tpu.memory_space<hbm>> -> memref<200x50xi32, #tpu.memory_space<hbm>>
        %dma_start3A_58 = arith.constant 0 : i32
        %dma_start3A_59 = tpu.memref_slice %arg2[%add3A_56, %dma_start3A_58] : memref<12800x50xi32, #tpu.memory_space<hbm>> -> memref<200x50xi32, #tpu.memory_space<hbm>>
        tpu.enqueue_dma source(%dma_start3A_59 : memref<200x50xi32, #tpu.memory_space<hbm>>) target(%arg6 : memref<200x50xi32, #tpu.memory_space<vmem>>) target_semaphore(%run_scoped3A : memref<!tpu.dma_semaphore, #tpu.memory_space<semaphore_mem>>)
        %dma_wait3A = arith.constant 0 : i32
        %dma_wait3A_60 = tpu.memref_slice %arg2[%add3A_56, %dma_wait3A] : memref<12800x50xi32, #tpu.memory_space<hbm>> -> memref<200x50xi32, #tpu.memory_space<hbm>>
        %dma_wait3A_61 = arith.constant 0 : i32
        %dma_wait3A_62 = tpu.memref_slice %arg2[%add3A_56, %dma_wait3A_61] : memref<12800x50xi32, #tpu.memory_space<hbm>> -> memref<200x50xi32, #tpu.memory_space<hbm>>
        tpu.wait_dma2 semaphore(%run_scoped3A : memref<!tpu.dma_semaphore, #tpu.memory_space<semaphore_mem>>) src(%dma_wait3A_62 : memref<200x50xi32, #tpu.memory_space<hbm>>) dst(%arg6 : memref<200x50xi32, #tpu.memory_space<vmem>>)
        tpu.yield
      }) : () -> ()
    } else {
    }
    %ne3A = arith.constant 0 : i32
    %ne3A_15 = arith.cmpi ne, %arg0, %ne3A : i32
    %convert_element_type3A_16 = arith.extui %ne3A_15 : i1 to i32
    %cond3A_17 = arith.constant 0 : i32
    %cond3A_18 = arith.cmpi ne, %convert_element_type3A_16, %cond3A_17 : i32
    scf.if %cond3A_18 {
      %mul3A_53 = arith.constant 200 : i32
      %mul3A_54 = arith.muli %arg1, %mul3A_53 : i32
      %add3A_55 = arith.constant 9600 : i32
      %add3A_56 = arith.addi %add3A_55, %mul3A_54 : i32
      "tpu.region"() ({
        %run_scoped3A = tpu.sem_alloc : memref<!tpu.dma_semaphore, #tpu.memory_space<semaphore_mem>>
        %dma_start3A = arith.constant 0 : i32
        %dma_start3A_57 = arith.constant 0 : i32
        %dma_start3A_58 = tpu.memref_slice %arg6[%dma_start3A, %dma_start3A_57] : memref<200x50xi32, #tpu.memory_space<vmem>> -> memref<200x50xi32, #tpu.memory_space<vmem>>
        %dma_start3A_59 = arith.constant 0 : i32
        %dma_start3A_60 = tpu.memref_slice %arg2[%add3A_56, %dma_start3A_59] : memref<12800x50xi32, #tpu.memory_space<hbm>> -> memref<200x50xi32, #tpu.memory_space<hbm>>
        %dma_start3A_61 = arith.constant 0 : i32
        %dma_start3A_62 = arith.constant 0 : i32
        %dma_start3A_63 = tpu.memref_slice %arg6[%dma_start3A_61, %dma_start3A_62] : memref<200x50xi32, #tpu.memory_space<vmem>> -> memref<200x50xi32, #tpu.memory_space<vmem>>
        %dma_start3A_64 = arith.constant 0 : i32
        %dma_start3A_65 = tpu.memref_slice %arg2[%add3A_56, %dma_start3A_64] : memref<12800x50xi32, #tpu.memory_space<hbm>> -> memref<200x50xi32, #tpu.memory_space<hbm>>
        tpu.enqueue_dma source(%dma_start3A_65 : memref<200x50xi32, #tpu.memory_space<hbm>>) target(%dma_start3A_63 : memref<200x50xi32, #tpu.memory_space<vmem>>) target_semaphore(%run_scoped3A : memref<!tpu.dma_semaphore, #tpu.memory_space<semaphore_mem>>)
        %dma_wait3A = arith.constant 0 : i32
        %dma_wait3A_66 = arith.constant 0 : i32
        %dma_wait3A_67 = tpu.memref_slice %arg6[%dma_wait3A, %dma_wait3A_66] : memref<200x50xi32, #tpu.memory_space<vmem>> -> memref<200x50xi32, #tpu.memory_space<vmem>>
        %dma_wait3A_68 = arith.constant 0 : i32
        %dma_wait3A_69 = tpu.memref_slice %arg2[%add3A_56, %dma_wait3A_68] : memref<12800x50xi32, #tpu.memory_space<hbm>> -> memref<200x50xi32, #tpu.memory_space<hbm>>
        %dma_wait3A_70 = arith.constant 0 : i32
        %dma_wait3A_71 = arith.constant 0 : i32
        %dma_wait3A_72 = tpu.memref_slice %arg6[%dma_wait3A_70, %dma_wait3A_71] : memref<200x50xi32, #tpu.memory_space<vmem>> -> memref<200x50xi32, #tpu.memory_space<vmem>>
        %dma_wait3A_73 = arith.constant 0 : i32
        %dma_wait3A_74 = tpu.memref_slice %arg2[%add3A_56, %dma_wait3A_73] : memref<12800x50xi32, #tpu.memory_space<hbm>> -> memref<200x50xi32, #tpu.memory_space<hbm>>
        tpu.wait_dma2 semaphore(%run_scoped3A : memref<!tpu.dma_semaphore, #tpu.memory_space<semaphore_mem>>) src(%dma_wait3A_74 : memref<200x50xi32, #tpu.memory_space<hbm>>) dst(%dma_wait3A_72 : memref<200x50xi32, #tpu.memory_space<vmem>>)
        tpu.yield
      }) : () -> ()
    } else {
    }
    %barrier3A = arith.constant 0 : index
    tpu.barrier barrier_id(%barrier3A)
    %eq3A_19 = arith.constant 0 : i32
    %eq3A_20 = arith.cmpi eq, %arg0, %eq3A_19 : i32
    %select_n3A = arith.constant 200 : i32
    %select_n3A_21 = arith.constant 200 : i32
    %select_n3A_22 = arith.select %eq3A_20, %select_n3A_21, %select_n3A : i32
    %while3A = arith.constant 0 : i32
    %while3A_23 = arith.constant 0 : i32
    %while3A_24 = arith.subi %select_n3A_22, %while3A_23 : i32
    %while3A_25 = arith.addi %while3A_23, %while3A_24 : i32
    %while3A_26 = arith.constant 1 : i32
    %while3A_27 = arith.divsi %while3A_24, %while3A_26 : i32
    %while3A_28 = arith.muli %while3A_27, %while3A_26 : i32
    %while3A_29 = arith.addi %while3A_23, %while3A_28 : i32
    %while3A_30 = arith.constant 1 : i32
    scf.for %while3A_53 = %while3A_23 to %while3A_29 step %while3A_30  : i32 {
      "tpu.region"() ({
        %run_scoped3A = tpu.sem_alloc : memref<!tpu.dma_semaphore, #tpu.memory_space<semaphore_mem>>
        %dma_start3A = arith.constant 0 : i32
        %dma_start3A_54 = tpu.memref_slice %arg6[%while3A_53, %dma_start3A] : memref<200x50xi32, #tpu.memory_space<vmem>> -> memref<1x50xi32, #tpu.memory_space<vmem>>
        %dma_start3A_55 = tpu.memref_squeeze %dma_start3A_54 : memref<1x50xi32, #tpu.memory_space<vmem>> -> memref<50xi32, #tpu.memory_space<vmem>>
        %dma_start3A_56 = arith.constant 0 : i32
        %dma_start3A_57 = arith.constant 0 : i32
        %dma_start3A_58 = tpu.memref_slice %arg8[%dma_start3A_56, %dma_start3A_57] : memref<10112x16xf32, #tpu.memory_space<vmem_shared>> -> memref<10112x16xf32, #tpu.memory_space<vmem_shared>>
        tpu.enqueue_indirect_dma source(%arg7 : memref<50x16xf32, #tpu.memory_space<vmem>>) target(%dma_start3A_58 : memref<10112x16xf32, #tpu.memory_space<vmem_shared>>) offsets(%dma_start3A_55 : memref<50xi32, #tpu.memory_space<vmem>>) semaphore(%run_scoped3A : memref<!tpu.dma_semaphore, #tpu.memory_space<semaphore_mem>>) {add = true}
        %dma_wait3A = arith.constant 0 : i32
        %dma_wait3A_59 = tpu.memref_slice %arg6[%while3A_53, %dma_wait3A] : memref<200x50xi32, #tpu.memory_space<vmem>> -> memref<1x50xi32, #tpu.memory_space<vmem>>
        %dma_wait3A_60 = tpu.memref_squeeze %dma_wait3A_59 : memref<1x50xi32, #tpu.memory_space<vmem>> -> memref<50xi32, #tpu.memory_space<vmem>>
        %dma_wait3A_61 = arith.constant 0 : i32
        %dma_wait3A_62 = arith.constant 0 : i32
        %dma_wait3A_63 = tpu.memref_slice %arg8[%dma_wait3A_61, %dma_wait3A_62] : memref<10112x16xf32, #tpu.memory_space<vmem_shared>> -> memref<10112x16xf32, #tpu.memory_space<vmem_shared>>
        tpu.wait_indirect_dma semaphore(%run_scoped3A : memref<!tpu.dma_semaphore, #tpu.memory_space<semaphore_mem>>) src(%arg7 : memref<50x16xf32, #tpu.memory_space<vmem>>) dst(%dma_wait3A_63 : memref<10112x16xf32, #tpu.memory_space<vmem_shared>>)
        tpu.yield
      }) : () -> ()
    }
    %while3A_31 = arith.constant 1 : i32
    scf.for %while3A_53 = %while3A_29 to %while3A_25 step %while3A_31  : i32 {
      "tpu.region"() ({
        %run_scoped3A = tpu.sem_alloc : memref<!tpu.dma_semaphore, #tpu.memory_space<semaphore_mem>>
        %dma_start3A = arith.constant 0 : i32
        %dma_start3A_54 = tpu.memref_slice %arg6[%while3A_53, %dma_start3A] : memref<200x50xi32, #tpu.memory_space<vmem>> -> memref<1x50xi32, #tpu.memory_space<vmem>>
        %dma_start3A_55 = tpu.memref_squeeze %dma_start3A_54 : memref<1x50xi32, #tpu.memory_space<vmem>> -> memref<50xi32, #tpu.memory_space<vmem>>
        %dma_start3A_56 = arith.constant 0 : i32
        %dma_start3A_57 = arith.constant 0 : i32
        %dma_start3A_58 = tpu.memref_slice %arg8[%dma_start3A_56, %dma_start3A_57] : memref<10112x16xf32, #tpu.memory_space<vmem_shared>> -> memref<10112x16xf32, #tpu.memory_space<vmem_shared>>
        tpu.enqueue_indirect_dma source(%arg7 : memref<50x16xf32, #tpu.memory_space<vmem>>) target(%dma_start3A_58 : memref<10112x16xf32, #tpu.memory_space<vmem_shared>>) offsets(%dma_start3A_55 : memref<50xi32, #tpu.memory_space<vmem>>) semaphore(%run_scoped3A : memref<!tpu.dma_semaphore, #tpu.memory_space<semaphore_mem>>) {add = true}
        %dma_wait3A = arith.constant 0 : i32
        %dma_wait3A_59 = tpu.memref_slice %arg6[%while3A_53, %dma_wait3A] : memref<200x50xi32, #tpu.memory_space<vmem>> -> memref<1x50xi32, #tpu.memory_space<vmem>>
        %dma_wait3A_60 = tpu.memref_squeeze %dma_wait3A_59 : memref<1x50xi32, #tpu.memory_space<vmem>> -> memref<50xi32, #tpu.memory_space<vmem>>
        %dma_wait3A_61 = arith.constant 0 : i32
        %dma_wait3A_62 = arith.constant 0 : i32
        %dma_wait3A_63 = tpu.memref_slice %arg8[%dma_wait3A_61, %dma_wait3A_62] : memref<10112x16xf32, #tpu.memory_space<vmem_shared>> -> memref<10112x16xf32, #tpu.memory_space<vmem_shared>>
        tpu.wait_indirect_dma semaphore(%run_scoped3A : memref<!tpu.dma_semaphore, #tpu.memory_space<semaphore_mem>>) src(%arg7 : memref<50x16xf32, #tpu.memory_space<vmem>>) dst(%dma_wait3A_63 : memref<10112x16xf32, #tpu.memory_space<vmem_shared>>)
        tpu.yield
      }) : () -> ()
    }
    %barrier3A_32 = arith.constant 0 : index
    tpu.barrier barrier_id(%barrier3A_32)
    %add3A_33 = arith.constant 0 : i32
    %add3A_34 = arith.addi %mul3A_2, %add3A_33 : i32
    %add3A_35 = arith.constant 0 : i32
    %add3A_36 = arith.addi %mul3A_2, %add3A_35 : i32
    "tpu.region"() ({
      %run_scoped3A = tpu.sem_alloc : memref<!tpu.dma_semaphore, #tpu.memory_space<semaphore_mem>>
      %dma_start3A = arith.constant 0 : i32
      %dma_start3A_53 = tpu.memref_slice %arg5[%arg0, %add3A_36, %dma_start3A] : memref<2x10112x16xf32, #tpu.memory_space<hbm>> -> memref<1x128x16xf32, #tpu.memory_space<hbm>>
      %dma_start3A_54 = tpu.memref_squeeze %dma_start3A_53 : memref<1x128x16xf32, #tpu.memory_space<hbm>> -> memref<128x16xf32, #tpu.memory_space<hbm>>
      %dma_start3A_55 = arith.constant 0 : i32
      %dma_start3A_56 = tpu.memref_slice %arg8[%add3A_34, %dma_start3A_55] : memref<10112x16xf32, #tpu.memory_space<vmem_shared>> -> memref<128x16xf32, #tpu.memory_space<vmem_shared>>
      tpu.enqueue_dma source(%dma_start3A_56 : memref<128x16xf32, #tpu.memory_space<vmem_shared>>) target(%dma_start3A_54 : memref<128x16xf32, #tpu.memory_space<hbm>>) target_semaphore(%run_scoped3A : memref<!tpu.dma_semaphore, #tpu.memory_space<semaphore_mem>>)
      %dma_wait3A = arith.constant 0 : i32
      %dma_wait3A_57 = tpu.memref_slice %arg5[%arg0, %add3A_36, %dma_wait3A] : memref<2x10112x16xf32, #tpu.memory_space<hbm>> -> memref<1x128x16xf32, #tpu.memory_space<hbm>>
      %dma_wait3A_58 = tpu.memref_squeeze %dma_wait3A_57 : memref<1x128x16xf32, #tpu.memory_space<hbm>> -> memref<128x16xf32, #tpu.memory_space<hbm>>
      %dma_wait3A_59 = arith.constant 0 : i32
      %dma_wait3A_60 = tpu.memref_slice %arg8[%add3A_34, %dma_wait3A_59] : memref<10112x16xf32, #tpu.memory_space<vmem_shared>> -> memref<128x16xf32, #tpu.memory_space<vmem_shared>>
      tpu.wait_dma2 semaphore(%run_scoped3A : memref<!tpu.dma_semaphore, #tpu.memory_space<semaphore_mem>>) src(%dma_wait3A_60 : memref<128x16xf32, #tpu.memory_space<vmem_shared>>) dst(%dma_wait3A_58 : memref<128x16xf32, #tpu.memory_space<hbm>>)
      tpu.yield
    }) : () -> ()
    %add3A_37 = arith.constant 128 : i32
    %add3A_38 = arith.addi %mul3A_2, %add3A_37 : i32
    %add3A_39 = arith.constant 128 : i32
    %add3A_40 = arith.addi %mul3A_2, %add3A_39 : i32
    "tpu.region"() ({
      %run_scoped3A = tpu.sem_alloc : memref<!tpu.dma_semaphore, #tpu.memory_space<semaphore_mem>>
      %dma_start3A = arith.constant 0 : i32
      %dma_start3A_53 = tpu.memref_slice %arg5[%arg0, %add3A_40, %dma_start3A] : memref<2x10112x16xf32, #tpu.memory_space<hbm>> -> memref<1x128x16xf32, #tpu.memory_space<hbm>>
      %dma_start3A_54 = tpu.memref_squeeze %dma_start3A_53 : memref<1x128x16xf32, #tpu.memory_space<hbm>> -> memref<128x16xf32, #tpu.memory_space<hbm>>
      %dma_start3A_55 = arith.constant 0 : i32
      %dma_start3A_56 = tpu.memref_slice %arg8[%add3A_38, %dma_start3A_55] : memref<10112x16xf32, #tpu.memory_space<vmem_shared>> -> memref<128x16xf32, #tpu.memory_space<vmem_shared>>
      tpu.enqueue_dma source(%dma_start3A_56 : memref<128x16xf32, #tpu.memory_space<vmem_shared>>) target(%dma_start3A_54 : memref<128x16xf32, #tpu.memory_space<hbm>>) target_semaphore(%run_scoped3A : memref<!tpu.dma_semaphore, #tpu.memory_space<semaphore_mem>>)
      %dma_wait3A = arith.constant 0 : i32
      %dma_wait3A_57 = tpu.memref_slice %arg5[%arg0, %add3A_40, %dma_wait3A] : memref<2x10112x16xf32, #tpu.memory_space<hbm>> -> memref<1x128x16xf32, #tpu.memory_space<hbm>>
      %dma_wait3A_58 = tpu.memref_squeeze %dma_wait3A_57 : memref<1x128x16xf32, #tpu.memory_space<hbm>> -> memref<128x16xf32, #tpu.memory_space<hbm>>
      %dma_wait3A_59 = arith.constant 0 : i32
      %dma_wait3A_60 = tpu.memref_slice %arg8[%add3A_38, %dma_wait3A_59] : memref<10112x16xf32, #tpu.memory_space<vmem_shared>> -> memref<128x16xf32, #tpu.memory_space<vmem_shared>>
      tpu.wait_dma2 semaphore(%run_scoped3A : memref<!tpu.dma_semaphore, #tpu.memory_space<semaphore_mem>>) src(%dma_wait3A_60 : memref<128x16xf32, #tpu.memory_space<vmem_shared>>) dst(%dma_wait3A_58 : memref<128x16xf32, #tpu.memory_space<hbm>>)
      tpu.yield
    }) : () -> ()
    %add3A_41 = arith.constant 256 : i32
    %add3A_42 = arith.addi %mul3A_2, %add3A_41 : i32
    %add3A_43 = arith.constant 256 : i32
    %add3A_44 = arith.addi %mul3A_2, %add3A_43 : i32
    "tpu.region"() ({
      %run_scoped3A = tpu.sem_alloc : memref<!tpu.dma_semaphore, #tpu.memory_space<semaphore_mem>>
      %dma_start3A = arith.constant 0 : i32
      %dma_start3A_53 = tpu.memref_slice %arg5[%arg0, %add3A_44, %dma_start3A] : memref<2x10112x16xf32, #tpu.memory_space<hbm>> -> memref<1x128x16xf32, #tpu.memory_space<hbm>>
      %dma_start3A_54 = tpu.memref_squeeze %dma_start3A_53 : memref<1x128x16xf32, #tpu.memory_space<hbm>> -> memref<128x16xf32, #tpu.memory_space<hbm>>
      %dma_start3A_55 = arith.constant 0 : i32
      %dma_start3A_56 = tpu.memref_slice %arg8[%add3A_42, %dma_start3A_55] : memref<10112x16xf32, #tpu.memory_space<vmem_shared>> -> memref<128x16xf32, #tpu.memory_space<vmem_shared>>
      tpu.enqueue_dma source(%dma_start3A_56 : memref<128x16xf32, #tpu.memory_space<vmem_shared>>) target(%dma_start3A_54 : memref<128x16xf32, #tpu.memory_space<hbm>>) target_semaphore(%run_scoped3A : memref<!tpu.dma_semaphore, #tpu.memory_space<semaphore_mem>>)
      %dma_wait3A = arith.constant 0 : i32
      %dma_wait3A_57 = tpu.memref_slice %arg5[%arg0, %add3A_44, %dma_wait3A] : memref<2x10112x16xf32, #tpu.memory_space<hbm>> -> memref<1x128x16xf32, #tpu.memory_space<hbm>>
      %dma_wait3A_58 = tpu.memref_squeeze %dma_wait3A_57 : memref<1x128x16xf32, #tpu.memory_space<hbm>> -> memref<128x16xf32, #tpu.memory_space<hbm>>
      %dma_wait3A_59 = arith.constant 0 : i32
      %dma_wait3A_60 = tpu.memref_slice %arg8[%add3A_42, %dma_wait3A_59] : memref<10112x16xf32, #tpu.memory_space<vmem_shared>> -> memref<128x16xf32, #tpu.memory_space<vmem_shared>>
      tpu.wait_dma2 semaphore(%run_scoped3A : memref<!tpu.dma_semaphore, #tpu.memory_space<semaphore_mem>>) src(%dma_wait3A_60 : memref<128x16xf32, #tpu.memory_space<vmem_shared>>) dst(%dma_wait3A_58 : memref<128x16xf32, #tpu.memory_space<hbm>>)
      tpu.yield
    }) : () -> ()
    %add3A_45 = arith.constant 384 : i32
    %add3A_46 = arith.addi %mul3A_2, %add3A_45 : i32
    %add3A_47 = arith.constant 384 : i32
    %add3A_48 = arith.addi %mul3A_2, %add3A_47 : i32
    "tpu.region"() ({
      %run_scoped3A = tpu.sem_alloc : memref<!tpu.dma_semaphore, #tpu.memory_space<semaphore_mem>>
      %dma_start3A = arith.constant 0 : i32
      %dma_start3A_53 = tpu.memref_slice %arg5[%arg0, %add3A_48, %dma_start3A] : memref<2x10112x16xf32, #tpu.memory_space<hbm>> -> memref<1x128x16xf32, #tpu.memory_space<hbm>>
      %dma_start3A_54 = tpu.memref_squeeze %dma_start3A_53 : memref<1x128x16xf32, #tpu.memory_space<hbm>> -> memref<128x16xf32, #tpu.memory_space<hbm>>
      %dma_start3A_55 = arith.constant 0 : i32
      %dma_start3A_56 = tpu.memref_slice %arg8[%add3A_46, %dma_start3A_55] : memref<10112x16xf32, #tpu.memory_space<vmem_shared>> -> memref<128x16xf32, #tpu.memory_space<vmem_shared>>
      tpu.enqueue_dma source(%dma_start3A_56 : memref<128x16xf32, #tpu.memory_space<vmem_shared>>) target(%dma_start3A_54 : memref<128x16xf32, #tpu.memory_space<hbm>>) target_semaphore(%run_scoped3A : memref<!tpu.dma_semaphore, #tpu.memory_space<semaphore_mem>>)
      %dma_wait3A = arith.constant 0 : i32
      %dma_wait3A_57 = tpu.memref_slice %arg5[%arg0, %add3A_48, %dma_wait3A] : memref<2x10112x16xf32, #tpu.memory_space<hbm>> -> memref<1x128x16xf32, #tpu.memory_space<hbm>>
      %dma_wait3A_58 = tpu.memref_squeeze %dma_wait3A_57 : memref<1x128x16xf32, #tpu.memory_space<hbm>> -> memref<128x16xf32, #tpu.memory_space<hbm>>
      %dma_wait3A_59 = arith.constant 0 : i32
      %dma_wait3A_60 = tpu.memref_slice %arg8[%add3A_46, %dma_wait3A_59] : memref<10112x16xf32, #tpu.memory_space<vmem_shared>> -> memref<128x16xf32, #tpu.memory_space<vmem_shared>>
      tpu.wait_dma2 semaphore(%run_scoped3A : memref<!tpu.dma_semaphore, #tpu.memory_space<semaphore_mem>>) src(%dma_wait3A_60 : memref<128x16xf32, #tpu.memory_space<vmem_shared>>) dst(%dma_wait3A_58 : memref<128x16xf32, #tpu.memory_space<hbm>>)
      tpu.yield
    }) : () -> ()
    %add3A_49 = arith.constant 512 : i32
    %add3A_50 = arith.addi %mul3A_2, %add3A_49 : i32
    %add3A_51 = arith.constant 512 : i32
    %add3A_52 = arith.addi %mul3A_2, %add3A_51 : i32
    "tpu.region"() ({
      %run_scoped3A = tpu.sem_alloc : memref<!tpu.dma_semaphore, #tpu.memory_space<semaphore_mem>>
      %dma_start3A = arith.constant 0 : i32
      %dma_start3A_53 = tpu.memref_slice %arg5[%arg0, %add3A_52, %dma_start3A] : memref<2x10112x16xf32, #tpu.memory_space<hbm>> -> memref<1x120x16xf32, #tpu.memory_space<hbm>>
      %dma_start3A_54 = tpu.memref_squeeze %dma_start3A_53 : memref<1x120x16xf32, #tpu.memory_space<hbm>> -> memref<120x16xf32, #tpu.memory_space<hbm>>
      %dma_start3A_55 = arith.constant 0 : i32
      %dma_start3A_56 = tpu.memref_slice %arg8[%add3A_50, %dma_start3A_55] : memref<10112x16xf32, #tpu.memory_space<vmem_shared>> -> memref<120x16xf32, #tpu.memory_space<vmem_shared>>
      tpu.enqueue_dma source(%dma_start3A_56 : memref<120x16xf32, #tpu.memory_space<vmem_shared>>) target(%dma_start3A_54 : memref<120x16xf32, #tpu.memory_space<hbm>>) target_semaphore(%run_scoped3A : memref<!tpu.dma_semaphore, #tpu.memory_space<semaphore_mem>>)
      %dma_wait3A = arith.constant 0 : i32
      %dma_wait3A_57 = tpu.memref_slice %arg5[%arg0, %add3A_52, %dma_wait3A] : memref<2x10112x16xf32, #tpu.memory_space<hbm>> -> memref<1x120x16xf32, #tpu.memory_space<hbm>>
      %dma_wait3A_58 = tpu.memref_squeeze %dma_wait3A_57 : memref<1x120x16xf32, #tpu.memory_space<hbm>> -> memref<120x16xf32, #tpu.memory_space<hbm>>
      %dma_wait3A_59 = arith.constant 0 : i32
      %dma_wait3A_60 = tpu.memref_slice %arg8[%add3A_50, %dma_wait3A_59] : memref<10112x16xf32, #tpu.memory_space<vmem_shared>> -> memref<120x16xf32, #tpu.memory_space<vmem_shared>>
      tpu.wait_dma2 semaphore(%run_scoped3A : memref<!tpu.dma_semaphore, #tpu.memory_space<semaphore_mem>>) src(%dma_wait3A_60 : memref<120x16xf32, #tpu.memory_space<vmem_shared>>) dst(%dma_wait3A_58 : memref<120x16xf32, #tpu.memory_space<hbm>>)
      tpu.yield
    }) : () -> ()
    return
  }
}

#map = affine_map<(d0, d1) -> (0, 0)>
#map1 = affine_map<(d0, d1) -> (0, 0, 0)>
module attributes {stable_mosaic.version = 14 : i64} {
  func.func @_sc_agg_body(%arg0: i32, %arg1: i32, %arg2: memref<40000x128xf32, #tpu.memory_space<hbm>>, %arg3: memref<6400x50xi32, #tpu.memory_space<hbm>>, %arg4: memref<12800x50xi32, #tpu.memory_space<hbm>>, %arg5: memref<128x128xf32, #tpu.memory_space<hbm>>, %arg6: memref<2x10112x128xf32, #tpu.memory_space<hbm>>, %arg7: memref<200x50xi32, #tpu.memory_space<vmem>>, %arg8: memref<200x50xi32, #tpu.memory_space<vmem>>, %arg9: memref<50x128xf32, #tpu.memory_space<vmem>>, %arg10: memref<50x128xf32, #tpu.memory_space<vmem>>, %arg11: memref<10112x128xf32, #tpu.memory_space<vmem_shared>>, %arg12: memref<!tpu.dma_semaphore, #tpu.memory_space<semaphore_mem>>, %arg13: memref<!tpu.dma_semaphore, #tpu.memory_space<semaphore_mem>>) attributes {dimension_semantics = [#tpu.dimension_semantics<core_parallel>, #tpu.dimension_semantics<subcore_parallel>], iteration_bounds = array<i64: 2, 16>, scalar_prefetch = 0 : i64, scratch_operands = 7 : i64, tpu.core_type = #tpu.core_type<sc_vector_subcore>, window_params = [{transform_indices = #map}, {transform_indices = #map}, {transform_indices = #map}, {transform_indices = #map}, {transform_indices = #map1}]} {
    %mul3A = arith.constant 16 : i32
    %mul3A_0 = arith.muli %arg0, %mul3A : i32
    %add3A = arith.addi %mul3A_0, %arg1 : i32
    %mul3A_1 = arith.constant 632 : i32
    %mul3A_2 = arith.muli %arg1, %mul3A_1 : i32
    %add3A_3 = arith.constant 0 : i32
    %add3A_4 = arith.addi %mul3A_2, %add3A_3 : i32
    "tpu.region"() ({
      %run_scoped3A = tpu.sem_alloc : memref<!tpu.dma_semaphore, #tpu.memory_space<semaphore_mem>>
      %dma_start3A_83 = arith.constant 0 : i32
      %dma_start3A_84 = tpu.memref_slice %arg11[%add3A_4, %dma_start3A_83] : memref<10112x128xf32, #tpu.memory_space<vmem_shared>> -> memref<128x128xf32, #tpu.memory_space<vmem_shared>>
      %dma_start3A_85 = arith.constant 0 : i32
      %dma_start3A_86 = arith.constant 0 : i32
      %dma_start3A_87 = tpu.memref_slice %arg5[%dma_start3A_85, %dma_start3A_86] : memref<128x128xf32, #tpu.memory_space<hbm>> -> memref<128x128xf32, #tpu.memory_space<hbm>>
      tpu.enqueue_dma source(%dma_start3A_87 : memref<128x128xf32, #tpu.memory_space<hbm>>) target(%dma_start3A_84 : memref<128x128xf32, #tpu.memory_space<vmem_shared>>) target_semaphore(%run_scoped3A : memref<!tpu.dma_semaphore, #tpu.memory_space<semaphore_mem>>)
      %dma_wait3A = arith.constant 0 : i32
      %dma_wait3A_88 = tpu.memref_slice %arg11[%add3A_4, %dma_wait3A] : memref<10112x128xf32, #tpu.memory_space<vmem_shared>> -> memref<128x128xf32, #tpu.memory_space<vmem_shared>>
      %dma_wait3A_89 = arith.constant 0 : i32
      %dma_wait3A_90 = arith.constant 0 : i32
      %dma_wait3A_91 = tpu.memref_slice %arg5[%dma_wait3A_89, %dma_wait3A_90] : memref<128x128xf32, #tpu.memory_space<hbm>> -> memref<128x128xf32, #tpu.memory_space<hbm>>
      tpu.wait_dma2 semaphore(%run_scoped3A : memref<!tpu.dma_semaphore, #tpu.memory_space<semaphore_mem>>) src(%dma_wait3A_91 : memref<128x128xf32, #tpu.memory_space<hbm>>) dst(%dma_wait3A_88 : memref<128x128xf32, #tpu.memory_space<vmem_shared>>)
      tpu.yield
    }) : () -> ()
    %add3A_5 = arith.constant 128 : i32
    %add3A_6 = arith.addi %mul3A_2, %add3A_5 : i32
    "tpu.region"() ({
      %run_scoped3A = tpu.sem_alloc : memref<!tpu.dma_semaphore, #tpu.memory_space<semaphore_mem>>
      %dma_start3A_83 = arith.constant 0 : i32
      %dma_start3A_84 = tpu.memref_slice %arg11[%add3A_6, %dma_start3A_83] : memref<10112x128xf32, #tpu.memory_space<vmem_shared>> -> memref<128x128xf32, #tpu.memory_space<vmem_shared>>
      %dma_start3A_85 = arith.constant 0 : i32
      %dma_start3A_86 = arith.constant 0 : i32
      %dma_start3A_87 = tpu.memref_slice %arg5[%dma_start3A_85, %dma_start3A_86] : memref<128x128xf32, #tpu.memory_space<hbm>> -> memref<128x128xf32, #tpu.memory_space<hbm>>
      tpu.enqueue_dma source(%dma_start3A_87 : memref<128x128xf32, #tpu.memory_space<hbm>>) target(%dma_start3A_84 : memref<128x128xf32, #tpu.memory_space<vmem_shared>>) target_semaphore(%run_scoped3A : memref<!tpu.dma_semaphore, #tpu.memory_space<semaphore_mem>>)
      %dma_wait3A = arith.constant 0 : i32
      %dma_wait3A_88 = tpu.memref_slice %arg11[%add3A_6, %dma_wait3A] : memref<10112x128xf32, #tpu.memory_space<vmem_shared>> -> memref<128x128xf32, #tpu.memory_space<vmem_shared>>
      %dma_wait3A_89 = arith.constant 0 : i32
      %dma_wait3A_90 = arith.constant 0 : i32
      %dma_wait3A_91 = tpu.memref_slice %arg5[%dma_wait3A_89, %dma_wait3A_90] : memref<128x128xf32, #tpu.memory_space<hbm>> -> memref<128x128xf32, #tpu.memory_space<hbm>>
      tpu.wait_dma2 semaphore(%run_scoped3A : memref<!tpu.dma_semaphore, #tpu.memory_space<semaphore_mem>>) src(%dma_wait3A_91 : memref<128x128xf32, #tpu.memory_space<hbm>>) dst(%dma_wait3A_88 : memref<128x128xf32, #tpu.memory_space<vmem_shared>>)
      tpu.yield
    }) : () -> ()
    %add3A_7 = arith.constant 256 : i32
    %add3A_8 = arith.addi %mul3A_2, %add3A_7 : i32
    "tpu.region"() ({
      %run_scoped3A = tpu.sem_alloc : memref<!tpu.dma_semaphore, #tpu.memory_space<semaphore_mem>>
      %dma_start3A_83 = arith.constant 0 : i32
      %dma_start3A_84 = tpu.memref_slice %arg11[%add3A_8, %dma_start3A_83] : memref<10112x128xf32, #tpu.memory_space<vmem_shared>> -> memref<128x128xf32, #tpu.memory_space<vmem_shared>>
      %dma_start3A_85 = arith.constant 0 : i32
      %dma_start3A_86 = arith.constant 0 : i32
      %dma_start3A_87 = tpu.memref_slice %arg5[%dma_start3A_85, %dma_start3A_86] : memref<128x128xf32, #tpu.memory_space<hbm>> -> memref<128x128xf32, #tpu.memory_space<hbm>>
      tpu.enqueue_dma source(%dma_start3A_87 : memref<128x128xf32, #tpu.memory_space<hbm>>) target(%dma_start3A_84 : memref<128x128xf32, #tpu.memory_space<vmem_shared>>) target_semaphore(%run_scoped3A : memref<!tpu.dma_semaphore, #tpu.memory_space<semaphore_mem>>)
      %dma_wait3A = arith.constant 0 : i32
      %dma_wait3A_88 = tpu.memref_slice %arg11[%add3A_8, %dma_wait3A] : memref<10112x128xf32, #tpu.memory_space<vmem_shared>> -> memref<128x128xf32, #tpu.memory_space<vmem_shared>>
      %dma_wait3A_89 = arith.constant 0 : i32
      %dma_wait3A_90 = arith.constant 0 : i32
      %dma_wait3A_91 = tpu.memref_slice %arg5[%dma_wait3A_89, %dma_wait3A_90] : memref<128x128xf32, #tpu.memory_space<hbm>> -> memref<128x128xf32, #tpu.memory_space<hbm>>
      tpu.wait_dma2 semaphore(%run_scoped3A : memref<!tpu.dma_semaphore, #tpu.memory_space<semaphore_mem>>) src(%dma_wait3A_91 : memref<128x128xf32, #tpu.memory_space<hbm>>) dst(%dma_wait3A_88 : memref<128x128xf32, #tpu.memory_space<vmem_shared>>)
      tpu.yield
    }) : () -> ()
    %add3A_9 = arith.constant 384 : i32
    %add3A_10 = arith.addi %mul3A_2, %add3A_9 : i32
    "tpu.region"() ({
      %run_scoped3A = tpu.sem_alloc : memref<!tpu.dma_semaphore, #tpu.memory_space<semaphore_mem>>
      %dma_start3A_83 = arith.constant 0 : i32
      %dma_start3A_84 = tpu.memref_slice %arg11[%add3A_10, %dma_start3A_83] : memref<10112x128xf32, #tpu.memory_space<vmem_shared>> -> memref<128x128xf32, #tpu.memory_space<vmem_shared>>
      %dma_start3A_85 = arith.constant 0 : i32
      %dma_start3A_86 = arith.constant 0 : i32
      %dma_start3A_87 = tpu.memref_slice %arg5[%dma_start3A_85, %dma_start3A_86] : memref<128x128xf32, #tpu.memory_space<hbm>> -> memref<128x128xf32, #tpu.memory_space<hbm>>
      tpu.enqueue_dma source(%dma_start3A_87 : memref<128x128xf32, #tpu.memory_space<hbm>>) target(%dma_start3A_84 : memref<128x128xf32, #tpu.memory_space<vmem_shared>>) target_semaphore(%run_scoped3A : memref<!tpu.dma_semaphore, #tpu.memory_space<semaphore_mem>>)
      %dma_wait3A = arith.constant 0 : i32
      %dma_wait3A_88 = tpu.memref_slice %arg11[%add3A_10, %dma_wait3A] : memref<10112x128xf32, #tpu.memory_space<vmem_shared>> -> memref<128x128xf32, #tpu.memory_space<vmem_shared>>
      %dma_wait3A_89 = arith.constant 0 : i32
      %dma_wait3A_90 = arith.constant 0 : i32
      %dma_wait3A_91 = tpu.memref_slice %arg5[%dma_wait3A_89, %dma_wait3A_90] : memref<128x128xf32, #tpu.memory_space<hbm>> -> memref<128x128xf32, #tpu.memory_space<hbm>>
      tpu.wait_dma2 semaphore(%run_scoped3A : memref<!tpu.dma_semaphore, #tpu.memory_space<semaphore_mem>>) src(%dma_wait3A_91 : memref<128x128xf32, #tpu.memory_space<hbm>>) dst(%dma_wait3A_88 : memref<128x128xf32, #tpu.memory_space<vmem_shared>>)
      tpu.yield
    }) : () -> ()
    %add3A_11 = arith.constant 512 : i32
    %add3A_12 = arith.addi %mul3A_2, %add3A_11 : i32
    "tpu.region"() ({
      %run_scoped3A = tpu.sem_alloc : memref<!tpu.dma_semaphore, #tpu.memory_space<semaphore_mem>>
      %dma_start3A_83 = arith.constant 0 : i32
      %dma_start3A_84 = tpu.memref_slice %arg11[%add3A_12, %dma_start3A_83] : memref<10112x128xf32, #tpu.memory_space<vmem_shared>> -> memref<120x128xf32, #tpu.memory_space<vmem_shared>>
      %dma_start3A_85 = arith.constant 0 : i32
      %dma_start3A_86 = arith.constant 0 : i32
      %dma_start3A_87 = tpu.memref_slice %arg5[%dma_start3A_85, %dma_start3A_86] : memref<128x128xf32, #tpu.memory_space<hbm>> -> memref<120x128xf32, #tpu.memory_space<hbm>>
      tpu.enqueue_dma source(%dma_start3A_87 : memref<120x128xf32, #tpu.memory_space<hbm>>) target(%dma_start3A_84 : memref<120x128xf32, #tpu.memory_space<vmem_shared>>) target_semaphore(%run_scoped3A : memref<!tpu.dma_semaphore, #tpu.memory_space<semaphore_mem>>)
      %dma_wait3A = arith.constant 0 : i32
      %dma_wait3A_88 = tpu.memref_slice %arg11[%add3A_12, %dma_wait3A] : memref<10112x128xf32, #tpu.memory_space<vmem_shared>> -> memref<120x128xf32, #tpu.memory_space<vmem_shared>>
      %dma_wait3A_89 = arith.constant 0 : i32
      %dma_wait3A_90 = arith.constant 0 : i32
      %dma_wait3A_91 = tpu.memref_slice %arg5[%dma_wait3A_89, %dma_wait3A_90] : memref<128x128xf32, #tpu.memory_space<hbm>> -> memref<120x128xf32, #tpu.memory_space<hbm>>
      tpu.wait_dma2 semaphore(%run_scoped3A : memref<!tpu.dma_semaphore, #tpu.memory_space<semaphore_mem>>) src(%dma_wait3A_91 : memref<120x128xf32, #tpu.memory_space<hbm>>) dst(%dma_wait3A_88 : memref<120x128xf32, #tpu.memory_space<vmem_shared>>)
      tpu.yield
    }) : () -> ()
    %eq3A = arith.constant 0 : i32
    %eq3A_13 = arith.cmpi eq, %arg0, %eq3A : i32
    %convert_element_type3A = arith.extui %eq3A_13 : i1 to i32
    %cond3A = arith.constant 0 : i32
    %cond3A_14 = arith.cmpi ne, %convert_element_type3A, %cond3A : i32
    scf.if %cond3A_14 {
      %mul3A_83 = arith.constant 200 : i32
      %mul3A_84 = arith.muli %arg1, %mul3A_83 : i32
      "tpu.region"() ({
        %run_scoped3A = tpu.sem_alloc : memref<!tpu.dma_semaphore, #tpu.memory_space<semaphore_mem>>
        %dma_start3A_87 = arith.constant 0 : i32
        %dma_start3A_88 = tpu.memref_slice %arg3[%mul3A_84, %dma_start3A_87] : memref<6400x50xi32, #tpu.memory_space<hbm>> -> memref<200x50xi32, #tpu.memory_space<hbm>>
        %dma_start3A_89 = arith.constant 0 : i32
        %dma_start3A_90 = tpu.memref_slice %arg3[%mul3A_84, %dma_start3A_89] : memref<6400x50xi32, #tpu.memory_space<hbm>> -> memref<200x50xi32, #tpu.memory_space<hbm>>
        tpu.enqueue_dma source(%dma_start3A_90 : memref<200x50xi32, #tpu.memory_space<hbm>>) target(%arg7 : memref<200x50xi32, #tpu.memory_space<vmem>>) target_semaphore(%run_scoped3A : memref<!tpu.dma_semaphore, #tpu.memory_space<semaphore_mem>>)
        %dma_wait3A = arith.constant 0 : i32
        %dma_wait3A_91 = tpu.memref_slice %arg3[%mul3A_84, %dma_wait3A] : memref<6400x50xi32, #tpu.memory_space<hbm>> -> memref<200x50xi32, #tpu.memory_space<hbm>>
        %dma_wait3A_92 = arith.constant 0 : i32
        %dma_wait3A_93 = tpu.memref_slice %arg3[%mul3A_84, %dma_wait3A_92] : memref<6400x50xi32, #tpu.memory_space<hbm>> -> memref<200x50xi32, #tpu.memory_space<hbm>>
        tpu.wait_dma2 semaphore(%run_scoped3A : memref<!tpu.dma_semaphore, #tpu.memory_space<semaphore_mem>>) src(%dma_wait3A_93 : memref<200x50xi32, #tpu.memory_space<hbm>>) dst(%arg7 : memref<200x50xi32, #tpu.memory_space<vmem>>)
        tpu.yield
      }) : () -> ()
      %add3A_85 = arith.constant 6400 : i32
      %add3A_86 = arith.addi %add3A_85, %mul3A_84 : i32
      "tpu.region"() ({
        %run_scoped3A = tpu.sem_alloc : memref<!tpu.dma_semaphore, #tpu.memory_space<semaphore_mem>>
        %dma_start3A_87 = arith.constant 0 : i32
        %dma_start3A_88 = tpu.memref_slice %arg4[%add3A_86, %dma_start3A_87] : memref<12800x50xi32, #tpu.memory_space<hbm>> -> memref<200x50xi32, #tpu.memory_space<hbm>>
        %dma_start3A_89 = arith.constant 0 : i32
        %dma_start3A_90 = tpu.memref_slice %arg4[%add3A_86, %dma_start3A_89] : memref<12800x50xi32, #tpu.memory_space<hbm>> -> memref<200x50xi32, #tpu.memory_space<hbm>>
        tpu.enqueue_dma source(%dma_start3A_90 : memref<200x50xi32, #tpu.memory_space<hbm>>) target(%arg8 : memref<200x50xi32, #tpu.memory_space<vmem>>) target_semaphore(%run_scoped3A : memref<!tpu.dma_semaphore, #tpu.memory_space<semaphore_mem>>)
        %dma_wait3A = arith.constant 0 : i32
        %dma_wait3A_91 = tpu.memref_slice %arg4[%add3A_86, %dma_wait3A] : memref<12800x50xi32, #tpu.memory_space<hbm>> -> memref<200x50xi32, #tpu.memory_space<hbm>>
        %dma_wait3A_92 = arith.constant 0 : i32
        %dma_wait3A_93 = tpu.memref_slice %arg4[%add3A_86, %dma_wait3A_92] : memref<12800x50xi32, #tpu.memory_space<hbm>> -> memref<200x50xi32, #tpu.memory_space<hbm>>
        tpu.wait_dma2 semaphore(%run_scoped3A : memref<!tpu.dma_semaphore, #tpu.memory_space<semaphore_mem>>) src(%dma_wait3A_93 : memref<200x50xi32, #tpu.memory_space<hbm>>) dst(%arg8 : memref<200x50xi32, #tpu.memory_space<vmem>>)
        tpu.yield
      }) : () -> ()
    } else {
    }
    %ne3A = arith.constant 0 : i32
    %ne3A_15 = arith.cmpi ne, %arg0, %ne3A : i32
    %convert_element_type3A_16 = arith.extui %ne3A_15 : i1 to i32
    %cond3A_17 = arith.constant 0 : i32
    %cond3A_18 = arith.cmpi ne, %convert_element_type3A_16, %cond3A_17 : i32
    scf.if %cond3A_18 {
      %mul3A_83 = arith.constant 200 : i32
      %mul3A_84 = arith.muli %arg1, %mul3A_83 : i32
      %add3A_85 = arith.constant 3200 : i32
      %add3A_86 = arith.addi %add3A_85, %mul3A_84 : i32
      "tpu.region"() ({
        %run_scoped3A = tpu.sem_alloc : memref<!tpu.dma_semaphore, #tpu.memory_space<semaphore_mem>>
        %dma_start3A_89 = arith.constant 0 : i32
        %dma_start3A_90 = arith.constant 0 : i32
        %dma_start3A_91 = tpu.memref_slice %arg7[%dma_start3A_89, %dma_start3A_90] : memref<200x50xi32, #tpu.memory_space<vmem>> -> memref<200x50xi32, #tpu.memory_space<vmem>>
        %dma_start3A_92 = arith.constant 0 : i32
        %dma_start3A_93 = tpu.memref_slice %arg3[%add3A_86, %dma_start3A_92] : memref<6400x50xi32, #tpu.memory_space<hbm>> -> memref<200x50xi32, #tpu.memory_space<hbm>>
        %dma_start3A_94 = arith.constant 0 : i32
        %dma_start3A_95 = arith.constant 0 : i32
        %dma_start3A_96 = tpu.memref_slice %arg7[%dma_start3A_94, %dma_start3A_95] : memref<200x50xi32, #tpu.memory_space<vmem>> -> memref<200x50xi32, #tpu.memory_space<vmem>>
        %dma_start3A_97 = arith.constant 0 : i32
        %dma_start3A_98 = tpu.memref_slice %arg3[%add3A_86, %dma_start3A_97] : memref<6400x50xi32, #tpu.memory_space<hbm>> -> memref<200x50xi32, #tpu.memory_space<hbm>>
        tpu.enqueue_dma source(%dma_start3A_98 : memref<200x50xi32, #tpu.memory_space<hbm>>) target(%dma_start3A_96 : memref<200x50xi32, #tpu.memory_space<vmem>>) target_semaphore(%run_scoped3A : memref<!tpu.dma_semaphore, #tpu.memory_space<semaphore_mem>>)
        %dma_wait3A = arith.constant 0 : i32
        %dma_wait3A_99 = arith.constant 0 : i32
        %dma_wait3A_100 = tpu.memref_slice %arg7[%dma_wait3A, %dma_wait3A_99] : memref<200x50xi32, #tpu.memory_space<vmem>> -> memref<200x50xi32, #tpu.memory_space<vmem>>
        %dma_wait3A_101 = arith.constant 0 : i32
        %dma_wait3A_102 = tpu.memref_slice %arg3[%add3A_86, %dma_wait3A_101] : memref<6400x50xi32, #tpu.memory_space<hbm>> -> memref<200x50xi32, #tpu.memory_space<hbm>>
        %dma_wait3A_103 = arith.constant 0 : i32
        %dma_wait3A_104 = arith.constant 0 : i32
        %dma_wait3A_105 = tpu.memref_slice %arg7[%dma_wait3A_103, %dma_wait3A_104] : memref<200x50xi32, #tpu.memory_space<vmem>> -> memref<200x50xi32, #tpu.memory_space<vmem>>
        %dma_wait3A_106 = arith.constant 0 : i32
        %dma_wait3A_107 = tpu.memref_slice %arg3[%add3A_86, %dma_wait3A_106] : memref<6400x50xi32, #tpu.memory_space<hbm>> -> memref<200x50xi32, #tpu.memory_space<hbm>>
        tpu.wait_dma2 semaphore(%run_scoped3A : memref<!tpu.dma_semaphore, #tpu.memory_space<semaphore_mem>>) src(%dma_wait3A_107 : memref<200x50xi32, #tpu.memory_space<hbm>>) dst(%dma_wait3A_105 : memref<200x50xi32, #tpu.memory_space<vmem>>)
        tpu.yield
      }) : () -> ()
      %add3A_87 = arith.constant 6400 : i32
      %add3A_88 = arith.addi %add3A_87, %add3A_86 : i32
      "tpu.region"() ({
        %run_scoped3A = tpu.sem_alloc : memref<!tpu.dma_semaphore, #tpu.memory_space<semaphore_mem>>
        %dma_start3A_89 = arith.constant 0 : i32
        %dma_start3A_90 = arith.constant 0 : i32
        %dma_start3A_91 = tpu.memref_slice %arg8[%dma_start3A_89, %dma_start3A_90] : memref<200x50xi32, #tpu.memory_space<vmem>> -> memref<200x50xi32, #tpu.memory_space<vmem>>
        %dma_start3A_92 = arith.constant 0 : i32
        %dma_start3A_93 = tpu.memref_slice %arg4[%add3A_88, %dma_start3A_92] : memref<12800x50xi32, #tpu.memory_space<hbm>> -> memref<200x50xi32, #tpu.memory_space<hbm>>
        %dma_start3A_94 = arith.constant 0 : i32
        %dma_start3A_95 = arith.constant 0 : i32
        %dma_start3A_96 = tpu.memref_slice %arg8[%dma_start3A_94, %dma_start3A_95] : memref<200x50xi32, #tpu.memory_space<vmem>> -> memref<200x50xi32, #tpu.memory_space<vmem>>
        %dma_start3A_97 = arith.constant 0 : i32
        %dma_start3A_98 = tpu.memref_slice %arg4[%add3A_88, %dma_start3A_97] : memref<12800x50xi32, #tpu.memory_space<hbm>> -> memref<200x50xi32, #tpu.memory_space<hbm>>
        tpu.enqueue_dma source(%dma_start3A_98 : memref<200x50xi32, #tpu.memory_space<hbm>>) target(%dma_start3A_96 : memref<200x50xi32, #tpu.memory_space<vmem>>) target_semaphore(%run_scoped3A : memref<!tpu.dma_semaphore, #tpu.memory_space<semaphore_mem>>)
        %dma_wait3A = arith.constant 0 : i32
        %dma_wait3A_99 = arith.constant 0 : i32
        %dma_wait3A_100 = tpu.memref_slice %arg8[%dma_wait3A, %dma_wait3A_99] : memref<200x50xi32, #tpu.memory_space<vmem>> -> memref<200x50xi32, #tpu.memory_space<vmem>>
        %dma_wait3A_101 = arith.constant 0 : i32
        %dma_wait3A_102 = tpu.memref_slice %arg4[%add3A_88, %dma_wait3A_101] : memref<12800x50xi32, #tpu.memory_space<hbm>> -> memref<200x50xi32, #tpu.memory_space<hbm>>
        %dma_wait3A_103 = arith.constant 0 : i32
        %dma_wait3A_104 = arith.constant 0 : i32
        %dma_wait3A_105 = tpu.memref_slice %arg8[%dma_wait3A_103, %dma_wait3A_104] : memref<200x50xi32, #tpu.memory_space<vmem>> -> memref<200x50xi32, #tpu.memory_space<vmem>>
        %dma_wait3A_106 = arith.constant 0 : i32
        %dma_wait3A_107 = tpu.memref_slice %arg4[%add3A_88, %dma_wait3A_106] : memref<12800x50xi32, #tpu.memory_space<hbm>> -> memref<200x50xi32, #tpu.memory_space<hbm>>
        tpu.wait_dma2 semaphore(%run_scoped3A : memref<!tpu.dma_semaphore, #tpu.memory_space<semaphore_mem>>) src(%dma_wait3A_107 : memref<200x50xi32, #tpu.memory_space<hbm>>) dst(%dma_wait3A_105 : memref<200x50xi32, #tpu.memory_space<vmem>>)
        tpu.yield
      }) : () -> ()
    } else {
    }
    %barrier3A = arith.constant 0 : index
    tpu.barrier barrier_id(%barrier3A)
    %eq3A_19 = arith.constant 0 : i32
    %eq3A_20 = arith.cmpi eq, %arg0, %eq3A_19 : i32
    %select_n3A = arith.constant 200 : i32
    %select_n3A_21 = arith.constant 200 : i32
    %select_n3A_22 = arith.select %eq3A_20, %select_n3A_21, %select_n3A : i32
    %dma_start3A = arith.constant 0 : i32
    %dma_start3A_23 = arith.constant 0 : i32
    %dma_start3A_24 = tpu.memref_slice %arg7[%dma_start3A, %dma_start3A_23] : memref<200x50xi32, #tpu.memory_space<vmem>> -> memref<1x50xi32, #tpu.memory_space<vmem>>
    %dma_start3A_25 = tpu.memref_squeeze %dma_start3A_24 : memref<1x50xi32, #tpu.memory_space<vmem>> -> memref<50xi32, #tpu.memory_space<vmem>>
    %dma_start3A_26 = arith.constant 0 : i32
    %dma_start3A_27 = arith.constant 0 : i32
    %dma_start3A_28 = tpu.memref_slice %arg2[%dma_start3A_26, %dma_start3A_27] : memref<40000x128xf32, #tpu.memory_space<hbm>> -> memref<40000x128xf32, #tpu.memory_space<hbm>>
    tpu.enqueue_indirect_dma source(%dma_start3A_28 : memref<40000x128xf32, #tpu.memory_space<hbm>>) target(%arg9 : memref<50x128xf32, #tpu.memory_space<vmem>>) offsets(%dma_start3A_25 : memref<50xi32, #tpu.memory_space<vmem>>) semaphore(%arg12 : memref<!tpu.dma_semaphore, #tpu.memory_space<semaphore_mem>>)
    %dma_start3A_29 = arith.constant 1 : i32
    %dma_start3A_30 = arith.constant 0 : i32
    %dma_start3A_31 = tpu.memref_slice %arg7[%dma_start3A_29, %dma_start3A_30] : memref<200x50xi32, #tpu.memory_space<vmem>> -> memref<1x50xi32, #tpu.memory_space<vmem>>
    %dma_start3A_32 = tpu.memref_squeeze %dma_start3A_31 : memref<1x50xi32, #tpu.memory_space<vmem>> -> memref<50xi32, #tpu.memory_space<vmem>>
    %dma_start3A_33 = arith.constant 0 : i32
    %dma_start3A_34 = arith.constant 0 : i32
    %dma_start3A_35 = tpu.memref_slice %arg2[%dma_start3A_33, %dma_start3A_34] : memref<40000x128xf32, #tpu.memory_space<hbm>> -> memref<40000x128xf32, #tpu.memory_space<hbm>>
    tpu.enqueue_indirect_dma source(%dma_start3A_35 : memref<40000x128xf32, #tpu.memory_space<hbm>>) target(%arg10 : memref<50x128xf32, #tpu.memory_space<vmem>>) offsets(%dma_start3A_32 : memref<50xi32, #tpu.memory_space<vmem>>) semaphore(%arg13 : memref<!tpu.dma_semaphore, #tpu.memory_space<semaphore_mem>>)
    %jit3A = arith.constant 2 : i32
    %div3A = arith.divsi %select_n3A_22, %jit3A : i32
    %sign3A = arith.constant 0 : i32
    %sign3A_36 = arith.cmpi sgt, %select_n3A_22, %sign3A : i32
    %sign3A_37 = arith.extui %sign3A_36 : i1 to i32
    %sign3A_38 = arith.constant 0 : i32
    %sign3A_39 = arith.cmpi slt, %select_n3A_22, %sign3A_38 : i32
    %sign3A_40 = arith.extui %sign3A_39 : i1 to i32
    %sign3A_41 = arith.subi %sign3A_37, %sign3A_40 : i32
    %sign3A_42 = arith.constant 0 : i32
    %sign3A_43 = arith.cmpi sgt, %jit3A, %sign3A_42 : i32
    %sign3A_44 = arith.extui %sign3A_43 : i1 to i32
    %sign3A_45 = arith.constant 0 : i32
    %sign3A_46 = arith.cmpi slt, %jit3A, %sign3A_45 : i32
    %sign3A_47 = arith.extui %sign3A_46 : i1 to i32
    %sign3A_48 = arith.subi %sign3A_44, %sign3A_47 : i32
    %ne3A_49 = arith.cmpi ne, %sign3A_41, %sign3A_48 : i32
    %rem3A = arith.remsi %select_n3A_22, %jit3A : i32
    %ne3A_50 = arith.constant 0 : i32
    %ne3A_51 = arith.cmpi ne, %rem3A, %ne3A_50 : i32
    %and3A = arith.andi %ne3A_49, %ne3A_51 : i1
    %sub3A = arith.constant 1 : i32
    %sub3A_52 = arith.subi %div3A, %sub3A : i32
    %select_n3A_53 = arith.select %and3A, %sub3A_52, %div3A : i32
    %while3A = arith.constant 0 : i32
    %while3A_54 = arith.subi %select_n3A_53, %while3A : i32
    %while3A_55 = arith.addi %while3A, %while3A_54 : i32
    %while3A_56 = arith.constant 1 : i32
    %while3A_57 = arith.divsi %while3A_54, %while3A_56 : i32
    %while3A_58 = arith.muli %while3A_57, %while3A_56 : i32
    %while3A_59 = arith.addi %while3A, %while3A_58 : i32
    %while3A_60 = arith.constant 1 : i32
    scf.for %while3A_83 = %while3A to %while3A_59 step %while3A_60  : i32 {
      %mul3A_84 = arith.constant 2 : i32
      %mul3A_85 = arith.muli %while3A_83, %mul3A_84 : i32
      %add3A_86 = arith.constant 0 : i32
      %add3A_87 = arith.addi %mul3A_85, %add3A_86 : i32
      %dma_wait3A = arith.constant 0 : i32
      %dma_wait3A_88 = tpu.memref_slice %arg7[%add3A_87, %dma_wait3A] : memref<200x50xi32, #tpu.memory_space<vmem>> -> memref<1x50xi32, #tpu.memory_space<vmem>>
      %dma_wait3A_89 = tpu.memref_squeeze %dma_wait3A_88 : memref<1x50xi32, #tpu.memory_space<vmem>> -> memref<50xi32, #tpu.memory_space<vmem>>
      %dma_wait3A_90 = arith.constant 0 : i32
      %dma_wait3A_91 = arith.constant 0 : i32
      %dma_wait3A_92 = tpu.memref_slice %arg2[%dma_wait3A_90, %dma_wait3A_91] : memref<40000x128xf32, #tpu.memory_space<hbm>> -> memref<40000x128xf32, #tpu.memory_space<hbm>>
      tpu.wait_indirect_dma semaphore(%arg12 : memref<!tpu.dma_semaphore, #tpu.memory_space<semaphore_mem>>) src(%dma_wait3A_92 : memref<40000x128xf32, #tpu.memory_space<hbm>>) dst(%arg9 : memref<50x128xf32, #tpu.memory_space<vmem>>)
      "tpu.region"() ({
        %run_scoped3A = tpu.sem_alloc : memref<!tpu.dma_semaphore, #tpu.memory_space<semaphore_mem>>
        %dma_start3A_114 = arith.constant 0 : i32
        %dma_start3A_115 = tpu.memref_slice %arg8[%add3A_87, %dma_start3A_114] : memref<200x50xi32, #tpu.memory_space<vmem>> -> memref<1x50xi32, #tpu.memory_space<vmem>>
        %dma_start3A_116 = tpu.memref_squeeze %dma_start3A_115 : memref<1x50xi32, #tpu.memory_space<vmem>> -> memref<50xi32, #tpu.memory_space<vmem>>
        %dma_start3A_117 = arith.constant 0 : i32
        %dma_start3A_118 = arith.constant 0 : i32
        %dma_start3A_119 = tpu.memref_slice %arg11[%dma_start3A_117, %dma_start3A_118] : memref<10112x128xf32, #tpu.memory_space<vmem_shared>> -> memref<10112x128xf32, #tpu.memory_space<vmem_shared>>
        tpu.enqueue_indirect_dma source(%arg9 : memref<50x128xf32, #tpu.memory_space<vmem>>) target(%dma_start3A_119 : memref<10112x128xf32, #tpu.memory_space<vmem_shared>>) offsets(%dma_start3A_116 : memref<50xi32, #tpu.memory_space<vmem>>) semaphore(%run_scoped3A : memref<!tpu.dma_semaphore, #tpu.memory_space<semaphore_mem>>) {add = true}
        %dma_wait3A_120 = arith.constant 0 : i32
        %dma_wait3A_121 = tpu.memref_slice %arg8[%add3A_87, %dma_wait3A_120] : memref<200x50xi32, #tpu.memory_space<vmem>> -> memref<1x50xi32, #tpu.memory_space<vmem>>
        %dma_wait3A_122 = tpu.memref_squeeze %dma_wait3A_121 : memref<1x50xi32, #tpu.memory_space<vmem>> -> memref<50xi32, #tpu.memory_space<vmem>>
        %dma_wait3A_123 = arith.constant 0 : i32
        %dma_wait3A_124 = arith.constant 0 : i32
        %dma_wait3A_125 = tpu.memref_slice %arg11[%dma_wait3A_123, %dma_wait3A_124] : memref<10112x128xf32, #tpu.memory_space<vmem_shared>> -> memref<10112x128xf32, #tpu.memory_space<vmem_shared>>
        tpu.wait_indirect_dma semaphore(%run_scoped3A : memref<!tpu.dma_semaphore, #tpu.memory_space<semaphore_mem>>) src(%arg9 : memref<50x128xf32, #tpu.memory_space<vmem>>) dst(%dma_wait3A_125 : memref<10112x128xf32, #tpu.memory_space<vmem_shared>>)
        tpu.yield
      }) : () -> ()
      %add3A_93 = arith.constant 2 : i32
      %add3A_94 = arith.addi %add3A_87, %add3A_93 : i32
      %lt3A = arith.cmpi slt, %add3A_94, %select_n3A_22 : i32
      %convert_element_type3A_95 = arith.extui %lt3A : i1 to i32
      %cond3A_96 = arith.constant 0 : i32
      %cond3A_97 = arith.cmpi ne, %convert_element_type3A_95, %cond3A_96 : i32
      scf.if %cond3A_97 {
        %add3A_114 = arith.constant 2 : i32
        %add3A_115 = arith.addi %add3A_87, %add3A_114 : i32
        %dma_start3A_116 = arith.constant 0 : i32
        %dma_start3A_117 = tpu.memref_slice %arg7[%add3A_115, %dma_start3A_116] : memref<200x50xi32, #tpu.memory_space<vmem>> -> memref<1x50xi32, #tpu.memory_space<vmem>>
        %dma_start3A_118 = tpu.memref_squeeze %dma_start3A_117 : memref<1x50xi32, #tpu.memory_space<vmem>> -> memref<50xi32, #tpu.memory_space<vmem>>
        %dma_start3A_119 = arith.constant 0 : i32
        %dma_start3A_120 = arith.constant 0 : i32
        %dma_start3A_121 = tpu.memref_slice %arg2[%dma_start3A_119, %dma_start3A_120] : memref<40000x128xf32, #tpu.memory_space<hbm>> -> memref<40000x128xf32, #tpu.memory_space<hbm>>
        tpu.enqueue_indirect_dma source(%dma_start3A_121 : memref<40000x128xf32, #tpu.memory_space<hbm>>) target(%arg9 : memref<50x128xf32, #tpu.memory_space<vmem>>) offsets(%dma_start3A_118 : memref<50xi32, #tpu.memory_space<vmem>>) semaphore(%arg12 : memref<!tpu.dma_semaphore, #tpu.memory_space<semaphore_mem>>)
      } else {
      }
      %mul3A_98 = arith.constant 2 : i32
      %mul3A_99 = arith.muli %while3A_83, %mul3A_98 : i32
      %add3A_100 = arith.constant 1 : i32
      %add3A_101 = arith.addi %mul3A_99, %add3A_100 : i32
      %dma_wait3A_102 = arith.constant 0 : i32
      %dma_wait3A_103 = tpu.memref_slice %arg7[%add3A_101, %dma_wait3A_102] : memref<200x50xi32, #tpu.memory_space<vmem>> -> memref<1x50xi32, #tpu.memory_space<vmem>>
      %dma_wait3A_104 = tpu.memref_squeeze %dma_wait3A_103 : memref<1x50xi32, #tpu.memory_space<vmem>> -> memref<50xi32, #tpu.memory_space<vmem>>
      %dma_wait3A_105 = arith.constant 0 : i32
      %dma_wait3A_106 = arith.constant 0 : i32
      %dma_wait3A_107 = tpu.memref_slice %arg2[%dma_wait3A_105, %dma_wait3A_106] : memref<40000x128xf32, #tpu.memory_space<hbm>> -> memref<40000x128xf32, #tpu.memory_space<hbm>>
      tpu.wait_indirect_dma semaphore(%arg13 : memref<!tpu.dma_semaphore, #tpu.memory_space<semaphore_mem>>) src(%dma_wait3A_107 : memref<40000x128xf32, #tpu.memory_space<hbm>>) dst(%arg10 : memref<50x128xf32, #tpu.memory_space<vmem>>)
      "tpu.region"() ({
        %run_scoped3A = tpu.sem_alloc : memref<!tpu.dma_semaphore, #tpu.memory_space<semaphore_mem>>
        %dma_start3A_114 = arith.constant 0 : i32
        %dma_start3A_115 = tpu.memref_slice %arg8[%add3A_101, %dma_start3A_114] : memref<200x50xi32, #tpu.memory_space<vmem>> -> memref<1x50xi32, #tpu.memory_space<vmem>>
        %dma_start3A_116 = tpu.memref_squeeze %dma_start3A_115 : memref<1x50xi32, #tpu.memory_space<vmem>> -> memref<50xi32, #tpu.memory_space<vmem>>
        %dma_start3A_117 = arith.constant 0 : i32
        %dma_start3A_118 = arith.constant 0 : i32
        %dma_start3A_119 = tpu.memref_slice %arg11[%dma_start3A_117, %dma_start3A_118] : memref<10112x128xf32, #tpu.memory_space<vmem_shared>> -> memref<10112x128xf32, #tpu.memory_space<vmem_shared>>
        tpu.enqueue_indirect_dma source(%arg10 : memref<50x128xf32, #tpu.memory_space<vmem>>) target(%dma_start3A_119 : memref<10112x128xf32, #tpu.memory_space<vmem_shared>>) offsets(%dma_start3A_116 : memref<50xi32, #tpu.memory_space<vmem>>) semaphore(%run_scoped3A : memref<!tpu.dma_semaphore, #tpu.memory_space<semaphore_mem>>) {add = true}
        %dma_wait3A_120 = arith.constant 0 : i32
        %dma_wait3A_121 = tpu.memref_slice %arg8[%add3A_101, %dma_wait3A_120] : memref<200x50xi32, #tpu.memory_space<vmem>> -> memref<1x50xi32, #tpu.memory_space<vmem>>
        %dma_wait3A_122 = tpu.memref_squeeze %dma_wait3A_121 : memref<1x50xi32, #tpu.memory_space<vmem>> -> memref<50xi32, #tpu.memory_space<vmem>>
        %dma_wait3A_123 = arith.constant 0 : i32
        %dma_wait3A_124 = arith.constant 0 : i32
        %dma_wait3A_125 = tpu.memref_slice %arg11[%dma_wait3A_123, %dma_wait3A_124] : memref<10112x128xf32, #tpu.memory_space<vmem_shared>> -> memref<10112x128xf32, #tpu.memory_space<vmem_shared>>
        tpu.wait_indirect_dma semaphore(%run_scoped3A : memref<!tpu.dma_semaphore, #tpu.memory_space<semaphore_mem>>) src(%arg10 : memref<50x128xf32, #tpu.memory_space<vmem>>) dst(%dma_wait3A_125 : memref<10112x128xf32, #tpu.memory_space<vmem_shared>>)
        tpu.yield
      }) : () -> ()
      %add3A_108 = arith.constant 2 : i32
      %add3A_109 = arith.addi %add3A_101, %add3A_108 : i32
      %lt3A_110 = arith.cmpi slt, %add3A_109, %select_n3A_22 : i32
      %convert_element_type3A_111 = arith.extui %lt3A_110 : i1 to i32
      %cond3A_112 = arith.constant 0 : i32
      %cond3A_113 = arith.cmpi ne, %convert_element_type3A_111, %cond3A_112 : i32
      scf.if %cond3A_113 {
        %add3A_114 = arith.constant 2 : i32
        %add3A_115 = arith.addi %add3A_101, %add3A_114 : i32
        %dma_start3A_116 = arith.constant 0 : i32
        %dma_start3A_117 = tpu.memref_slice %arg7[%add3A_115, %dma_start3A_116] : memref<200x50xi32, #tpu.memory_space<vmem>> -> memref<1x50xi32, #tpu.memory_space<vmem>>
        %dma_start3A_118 = tpu.memref_squeeze %dma_start3A_117 : memref<1x50xi32, #tpu.memory_space<vmem>> -> memref<50xi32, #tpu.memory_space<vmem>>
        %dma_start3A_119 = arith.constant 0 : i32
        %dma_start3A_120 = arith.constant 0 : i32
        %dma_start3A_121 = tpu.memref_slice %arg2[%dma_start3A_119, %dma_start3A_120] : memref<40000x128xf32, #tpu.memory_space<hbm>> -> memref<40000x128xf32, #tpu.memory_space<hbm>>
        tpu.enqueue_indirect_dma source(%dma_start3A_121 : memref<40000x128xf32, #tpu.memory_space<hbm>>) target(%arg10 : memref<50x128xf32, #tpu.memory_space<vmem>>) offsets(%dma_start3A_118 : memref<50xi32, #tpu.memory_space<vmem>>) semaphore(%arg13 : memref<!tpu.dma_semaphore, #tpu.memory_space<semaphore_mem>>)
      } else {
      }
    }
    %while3A_61 = arith.constant 1 : i32
    scf.for %while3A_83 = %while3A_59 to %while3A_55 step %while3A_61  : i32 {
      %mul3A_84 = arith.constant 2 : i32
      %mul3A_85 = arith.muli %while3A_83, %mul3A_84 : i32
      %add3A_86 = arith.constant 0 : i32
      %add3A_87 = arith.addi %mul3A_85, %add3A_86 : i32
      %dma_wait3A = arith.constant 0 : i32
      %dma_wait3A_88 = tpu.memref_slice %arg7[%add3A_87, %dma_wait3A] : memref<200x50xi32, #tpu.memory_space<vmem>> -> memref<1x50xi32, #tpu.memory_space<vmem>>
      %dma_wait3A_89 = tpu.memref_squeeze %dma_wait3A_88 : memref<1x50xi32, #tpu.memory_space<vmem>> -> memref<50xi32, #tpu.memory_space<vmem>>
      %dma_wait3A_90 = arith.constant 0 : i32
      %dma_wait3A_91 = arith.constant 0 : i32
      %dma_wait3A_92 = tpu.memref_slice %arg2[%dma_wait3A_90, %dma_wait3A_91] : memref<40000x128xf32, #tpu.memory_space<hbm>> -> memref<40000x128xf32, #tpu.memory_space<hbm>>
      tpu.wait_indirect_dma semaphore(%arg12 : memref<!tpu.dma_semaphore, #tpu.memory_space<semaphore_mem>>) src(%dma_wait3A_92 : memref<40000x128xf32, #tpu.memory_space<hbm>>) dst(%arg9 : memref<50x128xf32, #tpu.memory_space<vmem>>)
      "tpu.region"() ({
        %run_scoped3A = tpu.sem_alloc : memref<!tpu.dma_semaphore, #tpu.memory_space<semaphore_mem>>
        %dma_start3A_114 = arith.constant 0 : i32
        %dma_start3A_115 = tpu.memref_slice %arg8[%add3A_87, %dma_start3A_114] : memref<200x50xi32, #tpu.memory_space<vmem>> -> memref<1x50xi32, #tpu.memory_space<vmem>>
        %dma_start3A_116 = tpu.memref_squeeze %dma_start3A_115 : memref<1x50xi32, #tpu.memory_space<vmem>> -> memref<50xi32, #tpu.memory_space<vmem>>
        %dma_start3A_117 = arith.constant 0 : i32
        %dma_start3A_118 = arith.constant 0 : i32
        %dma_start3A_119 = tpu.memref_slice %arg11[%dma_start3A_117, %dma_start3A_118] : memref<10112x128xf32, #tpu.memory_space<vmem_shared>> -> memref<10112x128xf32, #tpu.memory_space<vmem_shared>>
        tpu.enqueue_indirect_dma source(%arg9 : memref<50x128xf32, #tpu.memory_space<vmem>>) target(%dma_start3A_119 : memref<10112x128xf32, #tpu.memory_space<vmem_shared>>) offsets(%dma_start3A_116 : memref<50xi32, #tpu.memory_space<vmem>>) semaphore(%run_scoped3A : memref<!tpu.dma_semaphore, #tpu.memory_space<semaphore_mem>>) {add = true}
        %dma_wait3A_120 = arith.constant 0 : i32
        %dma_wait3A_121 = tpu.memref_slice %arg8[%add3A_87, %dma_wait3A_120] : memref<200x50xi32, #tpu.memory_space<vmem>> -> memref<1x50xi32, #tpu.memory_space<vmem>>
        %dma_wait3A_122 = tpu.memref_squeeze %dma_wait3A_121 : memref<1x50xi32, #tpu.memory_space<vmem>> -> memref<50xi32, #tpu.memory_space<vmem>>
        %dma_wait3A_123 = arith.constant 0 : i32
        %dma_wait3A_124 = arith.constant 0 : i32
        %dma_wait3A_125 = tpu.memref_slice %arg11[%dma_wait3A_123, %dma_wait3A_124] : memref<10112x128xf32, #tpu.memory_space<vmem_shared>> -> memref<10112x128xf32, #tpu.memory_space<vmem_shared>>
        tpu.wait_indirect_dma semaphore(%run_scoped3A : memref<!tpu.dma_semaphore, #tpu.memory_space<semaphore_mem>>) src(%arg9 : memref<50x128xf32, #tpu.memory_space<vmem>>) dst(%dma_wait3A_125 : memref<10112x128xf32, #tpu.memory_space<vmem_shared>>)
        tpu.yield
      }) : () -> ()
      %add3A_93 = arith.constant 2 : i32
      %add3A_94 = arith.addi %add3A_87, %add3A_93 : i32
      %lt3A = arith.cmpi slt, %add3A_94, %select_n3A_22 : i32
      %convert_element_type3A_95 = arith.extui %lt3A : i1 to i32
      %cond3A_96 = arith.constant 0 : i32
      %cond3A_97 = arith.cmpi ne, %convert_element_type3A_95, %cond3A_96 : i32
      scf.if %cond3A_97 {
        %add3A_114 = arith.constant 2 : i32
        %add3A_115 = arith.addi %add3A_87, %add3A_114 : i32
        %dma_start3A_116 = arith.constant 0 : i32
        %dma_start3A_117 = tpu.memref_slice %arg7[%add3A_115, %dma_start3A_116] : memref<200x50xi32, #tpu.memory_space<vmem>> -> memref<1x50xi32, #tpu.memory_space<vmem>>
        %dma_start3A_118 = tpu.memref_squeeze %dma_start3A_117 : memref<1x50xi32, #tpu.memory_space<vmem>> -> memref<50xi32, #tpu.memory_space<vmem>>
        %dma_start3A_119 = arith.constant 0 : i32
        %dma_start3A_120 = arith.constant 0 : i32
        %dma_start3A_121 = tpu.memref_slice %arg2[%dma_start3A_119, %dma_start3A_120] : memref<40000x128xf32, #tpu.memory_space<hbm>> -> memref<40000x128xf32, #tpu.memory_space<hbm>>
        tpu.enqueue_indirect_dma source(%dma_start3A_121 : memref<40000x128xf32, #tpu.memory_space<hbm>>) target(%arg9 : memref<50x128xf32, #tpu.memory_space<vmem>>) offsets(%dma_start3A_118 : memref<50xi32, #tpu.memory_space<vmem>>) semaphore(%arg12 : memref<!tpu.dma_semaphore, #tpu.memory_space<semaphore_mem>>)
      } else {
      }
      %mul3A_98 = arith.constant 2 : i32
      %mul3A_99 = arith.muli %while3A_83, %mul3A_98 : i32
      %add3A_100 = arith.constant 1 : i32
      %add3A_101 = arith.addi %mul3A_99, %add3A_100 : i32
      %dma_wait3A_102 = arith.constant 0 : i32
      %dma_wait3A_103 = tpu.memref_slice %arg7[%add3A_101, %dma_wait3A_102] : memref<200x50xi32, #tpu.memory_space<vmem>> -> memref<1x50xi32, #tpu.memory_space<vmem>>
      %dma_wait3A_104 = tpu.memref_squeeze %dma_wait3A_103 : memref<1x50xi32, #tpu.memory_space<vmem>> -> memref<50xi32, #tpu.memory_space<vmem>>
      %dma_wait3A_105 = arith.constant 0 : i32
      %dma_wait3A_106 = arith.constant 0 : i32
      %dma_wait3A_107 = tpu.memref_slice %arg2[%dma_wait3A_105, %dma_wait3A_106] : memref<40000x128xf32, #tpu.memory_space<hbm>> -> memref<40000x128xf32, #tpu.memory_space<hbm>>
      tpu.wait_indirect_dma semaphore(%arg13 : memref<!tpu.dma_semaphore, #tpu.memory_space<semaphore_mem>>) src(%dma_wait3A_107 : memref<40000x128xf32, #tpu.memory_space<hbm>>) dst(%arg10 : memref<50x128xf32, #tpu.memory_space<vmem>>)
      "tpu.region"() ({
        %run_scoped3A = tpu.sem_alloc : memref<!tpu.dma_semaphore, #tpu.memory_space<semaphore_mem>>
        %dma_start3A_114 = arith.constant 0 : i32
        %dma_start3A_115 = tpu.memref_slice %arg8[%add3A_101, %dma_start3A_114] : memref<200x50xi32, #tpu.memory_space<vmem>> -> memref<1x50xi32, #tpu.memory_space<vmem>>
        %dma_start3A_116 = tpu.memref_squeeze %dma_start3A_115 : memref<1x50xi32, #tpu.memory_space<vmem>> -> memref<50xi32, #tpu.memory_space<vmem>>
        %dma_start3A_117 = arith.constant 0 : i32
        %dma_start3A_118 = arith.constant 0 : i32
        %dma_start3A_119 = tpu.memref_slice %arg11[%dma_start3A_117, %dma_start3A_118] : memref<10112x128xf32, #tpu.memory_space<vmem_shared>> -> memref<10112x128xf32, #tpu.memory_space<vmem_shared>>
        tpu.enqueue_indirect_dma source(%arg10 : memref<50x128xf32, #tpu.memory_space<vmem>>) target(%dma_start3A_119 : memref<10112x128xf32, #tpu.memory_space<vmem_shared>>) offsets(%dma_start3A_116 : memref<50xi32, #tpu.memory_space<vmem>>) semaphore(%run_scoped3A : memref<!tpu.dma_semaphore, #tpu.memory_space<semaphore_mem>>) {add = true}
        %dma_wait3A_120 = arith.constant 0 : i32
        %dma_wait3A_121 = tpu.memref_slice %arg8[%add3A_101, %dma_wait3A_120] : memref<200x50xi32, #tpu.memory_space<vmem>> -> memref<1x50xi32, #tpu.memory_space<vmem>>
        %dma_wait3A_122 = tpu.memref_squeeze %dma_wait3A_121 : memref<1x50xi32, #tpu.memory_space<vmem>> -> memref<50xi32, #tpu.memory_space<vmem>>
        %dma_wait3A_123 = arith.constant 0 : i32
        %dma_wait3A_124 = arith.constant 0 : i32
        %dma_wait3A_125 = tpu.memref_slice %arg11[%dma_wait3A_123, %dma_wait3A_124] : memref<10112x128xf32, #tpu.memory_space<vmem_shared>> -> memref<10112x128xf32, #tpu.memory_space<vmem_shared>>
        tpu.wait_indirect_dma semaphore(%run_scoped3A : memref<!tpu.dma_semaphore, #tpu.memory_space<semaphore_mem>>) src(%arg10 : memref<50x128xf32, #tpu.memory_space<vmem>>) dst(%dma_wait3A_125 : memref<10112x128xf32, #tpu.memory_space<vmem_shared>>)
        tpu.yield
      }) : () -> ()
      %add3A_108 = arith.constant 2 : i32
      %add3A_109 = arith.addi %add3A_101, %add3A_108 : i32
      %lt3A_110 = arith.cmpi slt, %add3A_109, %select_n3A_22 : i32
      %convert_element_type3A_111 = arith.extui %lt3A_110 : i1 to i32
      %cond3A_112 = arith.constant 0 : i32
      %cond3A_113 = arith.cmpi ne, %convert_element_type3A_111, %cond3A_112 : i32
      scf.if %cond3A_113 {
        %add3A_114 = arith.constant 2 : i32
        %add3A_115 = arith.addi %add3A_101, %add3A_114 : i32
        %dma_start3A_116 = arith.constant 0 : i32
        %dma_start3A_117 = tpu.memref_slice %arg7[%add3A_115, %dma_start3A_116] : memref<200x50xi32, #tpu.memory_space<vmem>> -> memref<1x50xi32, #tpu.memory_space<vmem>>
        %dma_start3A_118 = tpu.memref_squeeze %dma_start3A_117 : memref<1x50xi32, #tpu.memory_space<vmem>> -> memref<50xi32, #tpu.memory_space<vmem>>
        %dma_start3A_119 = arith.constant 0 : i32
        %dma_start3A_120 = arith.constant 0 : i32
        %dma_start3A_121 = tpu.memref_slice %arg2[%dma_start3A_119, %dma_start3A_120] : memref<40000x128xf32, #tpu.memory_space<hbm>> -> memref<40000x128xf32, #tpu.memory_space<hbm>>
        tpu.enqueue_indirect_dma source(%dma_start3A_121 : memref<40000x128xf32, #tpu.memory_space<hbm>>) target(%arg10 : memref<50x128xf32, #tpu.memory_space<vmem>>) offsets(%dma_start3A_118 : memref<50xi32, #tpu.memory_space<vmem>>) semaphore(%arg13 : memref<!tpu.dma_semaphore, #tpu.memory_space<semaphore_mem>>)
      } else {
      }
    }
    %barrier3A_62 = arith.constant 0 : index
    tpu.barrier barrier_id(%barrier3A_62)
    %add3A_63 = arith.constant 0 : i32
    %add3A_64 = arith.addi %mul3A_2, %add3A_63 : i32
    %add3A_65 = arith.constant 0 : i32
    %add3A_66 = arith.addi %mul3A_2, %add3A_65 : i32
    "tpu.region"() ({
      %run_scoped3A = tpu.sem_alloc : memref<!tpu.dma_semaphore, #tpu.memory_space<semaphore_mem>>
      %dma_start3A_83 = arith.constant 0 : i32
      %dma_start3A_84 = tpu.memref_slice %arg6[%arg0, %add3A_66, %dma_start3A_83] : memref<2x10112x128xf32, #tpu.memory_space<hbm>> -> memref<1x128x128xf32, #tpu.memory_space<hbm>>
      %dma_start3A_85 = tpu.memref_squeeze %dma_start3A_84 : memref<1x128x128xf32, #tpu.memory_space<hbm>> -> memref<128x128xf32, #tpu.memory_space<hbm>>
      %dma_start3A_86 = arith.constant 0 : i32
      %dma_start3A_87 = tpu.memref_slice %arg11[%add3A_64, %dma_start3A_86] : memref<10112x128xf32, #tpu.memory_space<vmem_shared>> -> memref<128x128xf32, #tpu.memory_space<vmem_shared>>
      tpu.enqueue_dma source(%dma_start3A_87 : memref<128x128xf32, #tpu.memory_space<vmem_shared>>) target(%dma_start3A_85 : memref<128x128xf32, #tpu.memory_space<hbm>>) target_semaphore(%run_scoped3A : memref<!tpu.dma_semaphore, #tpu.memory_space<semaphore_mem>>)
      %dma_wait3A = arith.constant 0 : i32
      %dma_wait3A_88 = tpu.memref_slice %arg6[%arg0, %add3A_66, %dma_wait3A] : memref<2x10112x128xf32, #tpu.memory_space<hbm>> -> memref<1x128x128xf32, #tpu.memory_space<hbm>>
      %dma_wait3A_89 = tpu.memref_squeeze %dma_wait3A_88 : memref<1x128x128xf32, #tpu.memory_space<hbm>> -> memref<128x128xf32, #tpu.memory_space<hbm>>
      %dma_wait3A_90 = arith.constant 0 : i32
      %dma_wait3A_91 = tpu.memref_slice %arg11[%add3A_64, %dma_wait3A_90] : memref<10112x128xf32, #tpu.memory_space<vmem_shared>> -> memref<128x128xf32, #tpu.memory_space<vmem_shared>>
      tpu.wait_dma2 semaphore(%run_scoped3A : memref<!tpu.dma_semaphore, #tpu.memory_space<semaphore_mem>>) src(%dma_wait3A_91 : memref<128x128xf32, #tpu.memory_space<vmem_shared>>) dst(%dma_wait3A_89 : memref<128x128xf32, #tpu.memory_space<hbm>>)
      tpu.yield
    }) : () -> ()
    %add3A_67 = arith.constant 128 : i32
    %add3A_68 = arith.addi %mul3A_2, %add3A_67 : i32
    %add3A_69 = arith.constant 128 : i32
    %add3A_70 = arith.addi %mul3A_2, %add3A_69 : i32
    "tpu.region"() ({
      %run_scoped3A = tpu.sem_alloc : memref<!tpu.dma_semaphore, #tpu.memory_space<semaphore_mem>>
      %dma_start3A_83 = arith.constant 0 : i32
      %dma_start3A_84 = tpu.memref_slice %arg6[%arg0, %add3A_70, %dma_start3A_83] : memref<2x10112x128xf32, #tpu.memory_space<hbm>> -> memref<1x128x128xf32, #tpu.memory_space<hbm>>
      %dma_start3A_85 = tpu.memref_squeeze %dma_start3A_84 : memref<1x128x128xf32, #tpu.memory_space<hbm>> -> memref<128x128xf32, #tpu.memory_space<hbm>>
      %dma_start3A_86 = arith.constant 0 : i32
      %dma_start3A_87 = tpu.memref_slice %arg11[%add3A_68, %dma_start3A_86] : memref<10112x128xf32, #tpu.memory_space<vmem_shared>> -> memref<128x128xf32, #tpu.memory_space<vmem_shared>>
      tpu.enqueue_dma source(%dma_start3A_87 : memref<128x128xf32, #tpu.memory_space<vmem_shared>>) target(%dma_start3A_85 : memref<128x128xf32, #tpu.memory_space<hbm>>) target_semaphore(%run_scoped3A : memref<!tpu.dma_semaphore, #tpu.memory_space<semaphore_mem>>)
      %dma_wait3A = arith.constant 0 : i32
      %dma_wait3A_88 = tpu.memref_slice %arg6[%arg0, %add3A_70, %dma_wait3A] : memref<2x10112x128xf32, #tpu.memory_space<hbm>> -> memref<1x128x128xf32, #tpu.memory_space<hbm>>
      %dma_wait3A_89 = tpu.memref_squeeze %dma_wait3A_88 : memref<1x128x128xf32, #tpu.memory_space<hbm>> -> memref<128x128xf32, #tpu.memory_space<hbm>>
      %dma_wait3A_90 = arith.constant 0 : i32
      %dma_wait3A_91 = tpu.memref_slice %arg11[%add3A_68, %dma_wait3A_90] : memref<10112x128xf32, #tpu.memory_space<vmem_shared>> -> memref<128x128xf32, #tpu.memory_space<vmem_shared>>
      tpu.wait_dma2 semaphore(%run_scoped3A : memref<!tpu.dma_semaphore, #tpu.memory_space<semaphore_mem>>) src(%dma_wait3A_91 : memref<128x128xf32, #tpu.memory_space<vmem_shared>>) dst(%dma_wait3A_89 : memref<128x128xf32, #tpu.memory_space<hbm>>)
      tpu.yield
    }) : () -> ()
    %add3A_71 = arith.constant 256 : i32
    %add3A_72 = arith.addi %mul3A_2, %add3A_71 : i32
    %add3A_73 = arith.constant 256 : i32
    %add3A_74 = arith.addi %mul3A_2, %add3A_73 : i32
    "tpu.region"() ({
      %run_scoped3A = tpu.sem_alloc : memref<!tpu.dma_semaphore, #tpu.memory_space<semaphore_mem>>
      %dma_start3A_83 = arith.constant 0 : i32
      %dma_start3A_84 = tpu.memref_slice %arg6[%arg0, %add3A_74, %dma_start3A_83] : memref<2x10112x128xf32, #tpu.memory_space<hbm>> -> memref<1x128x128xf32, #tpu.memory_space<hbm>>
      %dma_start3A_85 = tpu.memref_squeeze %dma_start3A_84 : memref<1x128x128xf32, #tpu.memory_space<hbm>> -> memref<128x128xf32, #tpu.memory_space<hbm>>
      %dma_start3A_86 = arith.constant 0 : i32
      %dma_start3A_87 = tpu.memref_slice %arg11[%add3A_72, %dma_start3A_86] : memref<10112x128xf32, #tpu.memory_space<vmem_shared>> -> memref<128x128xf32, #tpu.memory_space<vmem_shared>>
      tpu.enqueue_dma source(%dma_start3A_87 : memref<128x128xf32, #tpu.memory_space<vmem_shared>>) target(%dma_start3A_85 : memref<128x128xf32, #tpu.memory_space<hbm>>) target_semaphore(%run_scoped3A : memref<!tpu.dma_semaphore, #tpu.memory_space<semaphore_mem>>)
      %dma_wait3A = arith.constant 0 : i32
      %dma_wait3A_88 = tpu.memref_slice %arg6[%arg0, %add3A_74, %dma_wait3A] : memref<2x10112x128xf32, #tpu.memory_space<hbm>> -> memref<1x128x128xf32, #tpu.memory_space<hbm>>
      %dma_wait3A_89 = tpu.memref_squeeze %dma_wait3A_88 : memref<1x128x128xf32, #tpu.memory_space<hbm>> -> memref<128x128xf32, #tpu.memory_space<hbm>>
      %dma_wait3A_90 = arith.constant 0 : i32
      %dma_wait3A_91 = tpu.memref_slice %arg11[%add3A_72, %dma_wait3A_90] : memref<10112x128xf32, #tpu.memory_space<vmem_shared>> -> memref<128x128xf32, #tpu.memory_space<vmem_shared>>
      tpu.wait_dma2 semaphore(%run_scoped3A : memref<!tpu.dma_semaphore, #tpu.memory_space<semaphore_mem>>) src(%dma_wait3A_91 : memref<128x128xf32, #tpu.memory_space<vmem_shared>>) dst(%dma_wait3A_89 : memref<128x128xf32, #tpu.memory_space<hbm>>)
      tpu.yield
    }) : () -> ()
    %add3A_75 = arith.constant 384 : i32
    %add3A_76 = arith.addi %mul3A_2, %add3A_75 : i32
    %add3A_77 = arith.constant 384 : i32
    %add3A_78 = arith.addi %mul3A_2, %add3A_77 : i32
    "tpu.region"() ({
      %run_scoped3A = tpu.sem_alloc : memref<!tpu.dma_semaphore, #tpu.memory_space<semaphore_mem>>
      %dma_start3A_83 = arith.constant 0 : i32
      %dma_start3A_84 = tpu.memref_slice %arg6[%arg0, %add3A_78, %dma_start3A_83] : memref<2x10112x128xf32, #tpu.memory_space<hbm>> -> memref<1x128x128xf32, #tpu.memory_space<hbm>>
      %dma_start3A_85 = tpu.memref_squeeze %dma_start3A_84 : memref<1x128x128xf32, #tpu.memory_space<hbm>> -> memref<128x128xf32, #tpu.memory_space<hbm>>
      %dma_start3A_86 = arith.constant 0 : i32
      %dma_start3A_87 = tpu.memref_slice %arg11[%add3A_76, %dma_start3A_86] : memref<10112x128xf32, #tpu.memory_space<vmem_shared>> -> memref<128x128xf32, #tpu.memory_space<vmem_shared>>
      tpu.enqueue_dma source(%dma_start3A_87 : memref<128x128xf32, #tpu.memory_space<vmem_shared>>) target(%dma_start3A_85 : memref<128x128xf32, #tpu.memory_space<hbm>>) target_semaphore(%run_scoped3A : memref<!tpu.dma_semaphore, #tpu.memory_space<semaphore_mem>>)
      %dma_wait3A = arith.constant 0 : i32
      %dma_wait3A_88 = tpu.memref_slice %arg6[%arg0, %add3A_78, %dma_wait3A] : memref<2x10112x128xf32, #tpu.memory_space<hbm>> -> memref<1x128x128xf32, #tpu.memory_space<hbm>>
      %dma_wait3A_89 = tpu.memref_squeeze %dma_wait3A_88 : memref<1x128x128xf32, #tpu.memory_space<hbm>> -> memref<128x128xf32, #tpu.memory_space<hbm>>
      %dma_wait3A_90 = arith.constant 0 : i32
      %dma_wait3A_91 = tpu.memref_slice %arg11[%add3A_76, %dma_wait3A_90] : memref<10112x128xf32, #tpu.memory_space<vmem_shared>> -> memref<128x128xf32, #tpu.memory_space<vmem_shared>>
      tpu.wait_dma2 semaphore(%run_scoped3A : memref<!tpu.dma_semaphore, #tpu.memory_space<semaphore_mem>>) src(%dma_wait3A_91 : memref<128x128xf32, #tpu.memory_space<vmem_shared>>) dst(%dma_wait3A_89 : memref<128x128xf32, #tpu.memory_space<hbm>>)
      tpu.yield
    }) : () -> ()
    %add3A_79 = arith.constant 512 : i32
    %add3A_80 = arith.addi %mul3A_2, %add3A_79 : i32
    %add3A_81 = arith.constant 512 : i32
    %add3A_82 = arith.addi %mul3A_2, %add3A_81 : i32
    "tpu.region"() ({
      %run_scoped3A = tpu.sem_alloc : memref<!tpu.dma_semaphore, #tpu.memory_space<semaphore_mem>>
      %dma_start3A_83 = arith.constant 0 : i32
      %dma_start3A_84 = tpu.memref_slice %arg6[%arg0, %add3A_82, %dma_start3A_83] : memref<2x10112x128xf32, #tpu.memory_space<hbm>> -> memref<1x120x128xf32, #tpu.memory_space<hbm>>
      %dma_start3A_85 = tpu.memref_squeeze %dma_start3A_84 : memref<1x120x128xf32, #tpu.memory_space<hbm>> -> memref<120x128xf32, #tpu.memory_space<hbm>>
      %dma_start3A_86 = arith.constant 0 : i32
      %dma_start3A_87 = tpu.memref_slice %arg11[%add3A_80, %dma_start3A_86] : memref<10112x128xf32, #tpu.memory_space<vmem_shared>> -> memref<120x128xf32, #tpu.memory_space<vmem_shared>>
      tpu.enqueue_dma source(%dma_start3A_87 : memref<120x128xf32, #tpu.memory_space<vmem_shared>>) target(%dma_start3A_85 : memref<120x128xf32, #tpu.memory_space<hbm>>) target_semaphore(%run_scoped3A : memref<!tpu.dma_semaphore, #tpu.memory_space<semaphore_mem>>)
      %dma_wait3A = arith.constant 0 : i32
      %dma_wait3A_88 = tpu.memref_slice %arg6[%arg0, %add3A_82, %dma_wait3A] : memref<2x10112x128xf32, #tpu.memory_space<hbm>> -> memref<1x120x128xf32, #tpu.memory_space<hbm>>
      %dma_wait3A_89 = tpu.memref_squeeze %dma_wait3A_88 : memref<1x120x128xf32, #tpu.memory_space<hbm>> -> memref<120x128xf32, #tpu.memory_space<hbm>>
      %dma_wait3A_90 = arith.constant 0 : i32
      %dma_wait3A_91 = tpu.memref_slice %arg11[%add3A_80, %dma_wait3A_90] : memref<10112x128xf32, #tpu.memory_space<vmem_shared>> -> memref<120x128xf32, #tpu.memory_space<vmem_shared>>
      tpu.wait_dma2 semaphore(%run_scoped3A : memref<!tpu.dma_semaphore, #tpu.memory_space<semaphore_mem>>) src(%dma_wait3A_91 : memref<120x128xf32, #tpu.memory_space<vmem_shared>>) dst(%dma_wait3A_89 : memref<120x128xf32, #tpu.memory_space<hbm>>)
      tpu.yield
    }) : () -> ()
    return
  }
}

module attributes {stable_mosaic.version = 14 : i64} {
  func.func @_gidx_body(%arg0: i32, %arg1: memref<5000x128xi32, #tpu.memory_space<vmem>>, %arg2: memref<2500x128xi32, #tpu.memory_space<vmem>>, %arg3: memref<2500x128xi32, #tpu.memory_space<vmem>>) attributes {dimension_semantics = [#tpu.dimension_semantics<arbitrary>], iteration_bounds = array<i64: 1>, scalar_prefetch = 0 : i64, scratch_operands = 0 : i64, tpu.core_type = #tpu.core_type<tc>, window_params = [{pipeline_mode = #tpu.pipeline_mode<synchronous>, transform_indices = @transform_0, window_bounds = array<i64: 5000, 128>}, {pipeline_mode = #tpu.pipeline_mode<synchronous>, transform_indices = @transform_1, window_bounds = array<i64: 2500, 128>}, {pipeline_mode = #tpu.pipeline_mode<synchronous>, transform_indices = @transform_2, window_bounds = array<i64: 2500, 128>}]} {
    %get3A = arith.constant 0 : index
    %get3A_0 = arith.constant 0 : index
    %get3A_1 = vector.load %arg2[%get3A, %get3A_0] : memref<2500x128xi32, #tpu.memory_space<vmem>>, vector<2500x128xi32>
    %mul3A = arith.constant 10000 : i32
    %mul3A_2 = vector.broadcast %mul3A : i32 to vector<2500x128xi32>
    %mul3A_3 = arith.muli %get3A_1, %mul3A_2 : vector<2500x128xi32>
    %get3A_4 = arith.constant 0 : index
    %get3A_5 = arith.constant 0 : index
    %get3A_6 = vector.load %arg1[%get3A_4, %get3A_5] : memref<5000x128xi32, #tpu.memory_space<vmem>>, vector<2500x128xi32>
    %add3A = arith.addi %mul3A_3, %get3A_6 : vector<2500x128xi32>
    %swap3A = arith.constant 0 : index
    %swap3A_7 = arith.constant 0 : index
    %swap3A_8 = vector.load %arg3[%swap3A, %swap3A_7] : memref<2500x128xi32, #tpu.memory_space<vmem>>, vector<2500x128xi32>
    tpu.vector_store %arg3[%swap3A, %swap3A_7], %add3A {strides = array<i32>} : memref<2500x128xi32, #tpu.memory_space<vmem>>, vector<2500x128xi32>,
    return
  }
  func.func @transform_0(%arg0: i32) -> (i32, i32) {
    %c0_i32 = arith.constant 0 : i32
    %c0_i32_0 = arith.constant 0 : i32
    %c0_i32_1 = arith.constant 0 : i32
    return %c0_i32, %c0_i32_0 : i32, i32
  }
  func.func @transform_1(%arg0: i32) -> (i32, i32) {
    %c0_i32 = arith.constant 0 : i32
    %c0_i32_0 = arith.constant 0 : i32
    %c0_i32_1 = arith.constant 0 : i32
    return %c0_i32, %c0_i32_0 : i32, i32
  }
  func.func @transform_2(%arg0: i32) -> (i32, i32) {
    %c0_i32 = arith.constant 0 : i32
    %c0_i32_0 = arith.constant 0 : i32
    %c0_i32_1 = arith.constant 0 : i32
    return %c0_i32, %c0_i32_0 : i32, i32
  }
}

module attributes {stable_mosaic.version = 14 : i64} {
  func.func @_table_body(%arg0: i32, %arg1: i32, %arg2: memref<1000x128xf32, #tpu.memory_space<vmem>>, %arg3: memref<1x128x128xf32, #tpu.memory_space<vmem>>, %arg4: memref<1000x128xf32, #tpu.memory_space<vmem>>) attributes {dimension_semantics = [#tpu.dimension_semantics<arbitrary>, #tpu.dimension_semantics<arbitrary>], iteration_bounds = array<i64: 10, 4>, scalar_prefetch = 0 : i64, scratch_operands = 0 : i64, tpu.core_type = #tpu.core_type<tc>, window_params = [{transform_indices = @transform_0, window_bounds = array<i64: 1000, 128>}, {transform_indices = @transform_1, window_bounds = array<i64: 1, 128, 128>}, {transform_indices = @transform_2, window_bounds = array<i64: 1000, 128>}]} {
    %get3A = arith.constant 0 : index
    %get3A_0 = arith.constant 0 : index
    %get3A_1 = vector.load %arg2[%get3A, %get3A_0] : memref<1000x128xf32, #tpu.memory_space<vmem>>, vector<1000x128xf32>
    %get3A_2 = arith.constant 0 : index
    %get3A_3 = arith.constant 0 : index
    %get3A_4 = arith.constant 0 : index
    %get3A_5 = vector.load %arg3[%get3A_2, %get3A_3, %get3A_4] : memref<1x128x128xf32, #tpu.memory_space<vmem>>, vector<1x128x128xf32>
    %get3A_6 = vector.shape_cast %get3A_5 : vector<1x128x128xf32> to vector<128x128xf32>
    %dot_general3A = arith.constant dense<0.000000e+00> : vector<1000x128xf32>
    %dot_general3A_7 = tpu.matmul %get3A_1, %get3A_6, %dot_general3A {dimension_numbers = #tpu.dot_dimension_numbers<[1], [0], [0], [1], [0, 0, 1, 1], [], []>, transpose_lhs_hint = false} : vector<1000x128xf32>, vector<128x128xf32>, vector<1000x128xf32> -> vector<1000x128xf32>
    %swap3A = arith.constant 0 : index
    %swap3A_8 = arith.constant 0 : index
    %swap3A_9 = vector.load %arg4[%swap3A, %swap3A_8] : memref<1000x128xf32, #tpu.memory_space<vmem>>, vector<1000x128xf32>
    tpu.vector_store %arg4[%swap3A, %swap3A_8], %dot_general3A_7 {strides = array<i32>} : memref<1000x128xf32, #tpu.memory_space<vmem>>, vector<1000x128xf32>,
    return
  }
  func.func @transform_0(%arg0: i32, %arg1: i32) -> (i32, i32) {
    %c0_i32 = arith.constant 0 : i32
    %c0_i32_0 = arith.constant 0 : i32
    return %arg0, %c0_i32 : i32, i32
  }
  func.func @transform_1(%arg0: i32, %arg1: i32) -> (i32, i32, i32) {
    %c0_i32 = arith.constant 0 : i32
    %c0_i32_0 = arith.constant 0 : i32
    %c0_i32_1 = arith.constant 0 : i32
    return %arg1, %c0_i32, %c0_i32_0 : i32, i32, i32
  }
  func.func @transform_2(%arg0: i32, %arg1: i32) -> (i32, i32) {
    %mul3A = arith.constant 10 : i32
    %mul3A_0 = arith.muli %arg1, %mul3A : i32
    %add3A = arith.addi %mul3A_0, %arg0 : i32
    %c0_i32 = arith.constant 0 : i32
    %c0_i32_1 = arith.constant 0 : i32
    return %add3A, %c0_i32 : i32, i32
  }
}

module attributes {stable_mosaic.version = 14 : i64} {
  func.func @_h_body(%arg0: i32, %arg1: memref<2x1000x128xf32, #tpu.memory_space<vmem>>, %arg2: memref<2x1000x16xf32, #tpu.memory_space<vmem>>, %arg3: memref<1000x128xf32, #tpu.memory_space<vmem>>, %arg4: memref<128x128xf32, #tpu.memory_space<vmem>>, %arg5: memref<1x128xf32, #tpu.memory_space<vmem>>, %arg6: memref<1000x128xf32, #tpu.memory_space<vmem>>, %arg7: memref<8x128xf32, #tpu.memory_space<vmem>>, %arg8: memref<4xf32, #tpu.memory_space<smem>>) attributes {dimension_semantics = [#tpu.dimension_semantics<arbitrary>], iteration_bounds = array<i64: 10>, scalar_prefetch = 0 : i64, scratch_operands = 1 : i64, tpu.core_type = #tpu.core_type<tc>, window_params = [{transform_indices = @transform_0, window_bounds = array<i64: 2, 1000, 128>}, {transform_indices = @transform_1, window_bounds = array<i64: 2, 1000, 16>}, {transform_indices = @transform_2, window_bounds = array<i64: 1000, 128>}, {pipeline_mode = #tpu.pipeline_mode<synchronous>, transform_indices = @transform_3, window_bounds = array<i64: 128, 128>}, {pipeline_mode = #tpu.pipeline_mode<synchronous>, transform_indices = @transform_4, window_bounds = array<i64: 1, 128>}, {transform_indices = @transform_5, window_bounds = array<i64: 1000, 128>}, {pipeline_mode = #tpu.pipeline_mode<synchronous>, transform_indices = @transform_6, window_bounds = array<i64: 8, 128>}]} {
    %get3A = arith.constant 0 : index
    %get3A_0 = arith.constant 0 : index
    %get3A_1 = arith.constant 0 : index
    %get3A_2 = vector.load %arg1[%get3A, %get3A_0, %get3A_1] : memref<2x1000x128xf32, #tpu.memory_space<vmem>>, vector<1x1000x128xf32>
    %get3A_3 = vector.shape_cast %get3A_2 : vector<1x1000x128xf32> to vector<1000x128xf32>
    %get3A_4 = arith.constant 1 : index
    %get3A_5 = arith.constant 0 : index
    %get3A_6 = arith.constant 0 : index
    %get3A_7 = vector.load %arg1[%get3A_4, %get3A_5, %get3A_6] : memref<2x1000x128xf32, #tpu.memory_space<vmem>>, vector<1x1000x128xf32>
    %get3A_8 = vector.shape_cast %get3A_7 : vector<1x1000x128xf32> to vector<1000x128xf32>
    %add3A = arith.addf %get3A_3, %get3A_8 : vector<1000x128xf32>
    %get3A_9 = arith.constant 0 : index
    %get3A_10 = arith.constant 0 : index
    %get3A_11 = arith.constant 0 : index
    %get3A_12 = vector.load %arg2[%get3A_9, %get3A_10, %get3A_11] : memref<2x1000x16xf32, #tpu.memory_space<vmem>>, vector<1x1000x1xf32>
    %get3A_13 = vector.shape_cast %get3A_12 : vector<1x1000x1xf32> to vector<1000x1xf32>
    %get3A_14 = arith.constant 1 : index
    %get3A_15 = arith.constant 0 : index
    %get3A_16 = arith.constant 0 : index
    %get3A_17 = vector.load %arg2[%get3A_14, %get3A_15, %get3A_16] : memref<2x1000x16xf32, #tpu.memory_space<vmem>>, vector<1x1000x1xf32>
    %get3A_18 = vector.shape_cast %get3A_17 : vector<1x1000x1xf32> to vector<1000x1xf32>
    %add3A_19 = arith.addf %get3A_13, %get3A_18 : vector<1000x1xf32>
    %max3A = arith.constant 1.000000e+00 : f32
    %max3A_20 = vector.broadcast %max3A : f32 to vector<1000x1xf32>
    %max3A_21 = arith.maximumf %add3A_19, %max3A_20 : vector<1000x1xf32>
    %get3A_22 = arith.constant 0 : index
    %get3A_23 = arith.constant 0 : index
    %get3A_24 = vector.load %arg3[%get3A_22, %get3A_23] : memref<1000x128xf32, #tpu.memory_space<vmem>>, vector<1000x128xf32>
    %get3A_25 = arith.constant 0 : index
    %get3A_26 = arith.constant 0 : index
    %get3A_27 = vector.load %arg4[%get3A_25, %get3A_26] : memref<128x128xf32, #tpu.memory_space<vmem>>, vector<128x128xf32>
    %dot_general3A = arith.constant dense<0.000000e+00> : vector<1000x128xf32>
    %dot_general3A_28 = tpu.matmul %get3A_24, %get3A_27, %dot_general3A {dimension_numbers = #tpu.dot_dimension_numbers<[1], [0], [0], [1], [0, 0, 1, 1], [], []>, transpose_lhs_hint = false} : vector<1000x128xf32>, vector<128x128xf32>, vector<1000x128xf32> -> vector<1000x128xf32>
    %div3A = vector.broadcast %max3A_21 : vector<1000x1xf32> to vector<1000x128xf32>
    %div3A_29 = arith.divf %add3A, %div3A : vector<1000x128xf32>
    %add3A_30 = arith.addf %div3A_29, %dot_general3A_28 : vector<1000x128xf32>
    %get3A_31 = arith.constant 0 : index
    %get3A_32 = arith.constant 0 : index
    %get3A_33 = vector.load %arg5[%get3A_31, %get3A_32] : memref<1x128xf32, #tpu.memory_space<vmem>>, vector<1x128xf32>
    %add3A_34 = vector.broadcast %get3A_33 : vector<1x128xf32> to vector<1000x128xf32>
    %add3A_35 = arith.addf %add3A_30, %add3A_34 : vector<1000x128xf32>
    %max3A_36 = arith.constant 0.000000e+00 : f32
    %max3A_37 = vector.broadcast %max3A_36 : f32 to vector<1000x128xf32>
    %max3A_38 = arith.maximumf %add3A_35, %max3A_37 : vector<1000x128xf32>
    %swap3A = arith.constant 0 : index
    %swap3A_39 = arith.constant 0 : index
    %swap3A_40 = vector.load %arg6[%swap3A, %swap3A_39] : memref<1000x128xf32, #tpu.memory_space<vmem>>, vector<1000x128xf32>
    tpu.vector_store %arg6[%swap3A, %swap3A_39], %max3A_38 {strides = array<i32>} : memref<1000x128xf32, #tpu.memory_space<vmem>>, vector<1000x128xf32>,
    %reduce_sum3A = arith.constant dense<0.000000e+00> : vector<1000xf32>
    %reduce_sum3A_41 = vector.multi_reduction <add>, %max3A_38, %reduce_sum3A [1] : vector<1000x128xf32> to vector<1000xf32>
    %broadcast_in_dim3A = vector.shape_cast %reduce_sum3A_41 : vector<1000xf32> to vector<1000x1xf32>
    %mul3A = arith.constant 7.812500e-03 : f32
    %mul3A_42 = vector.broadcast %mul3A : f32 to vector<1000x1xf32>
    %mul3A_43 = arith.mulf %broadcast_in_dim3A, %mul3A_42 : vector<1000x1xf32>
    %sub3A = vector.broadcast %mul3A_43 : vector<1000x1xf32> to vector<1000x128xf32>
    %sub3A_44 = arith.subf %max3A_38, %sub3A : vector<1000x128xf32>
    %mul3A_45 = arith.mulf %sub3A_44, %sub3A_44 : vector<1000x128xf32>
    %reduce_sum3A_46 = arith.constant dense<0.000000e+00> : vector<1000xf32>
    %reduce_sum3A_47 = vector.multi_reduction <add>, %mul3A_45, %reduce_sum3A_46 [1] : vector<1000x128xf32> to vector<1000xf32>
    %broadcast_in_dim3A_48 = vector.shape_cast %reduce_sum3A_47 : vector<1000xf32> to vector<1000x1xf32>
    %mul3A_49 = arith.constant 7.812500e-03 : f32
    %mul3A_50 = vector.broadcast %mul3A_49 : f32 to vector<1000x1xf32>
    %mul3A_51 = arith.mulf %broadcast_in_dim3A_48, %mul3A_50 : vector<1000x1xf32>
    %sqrt3A = math.sqrt %mul3A_51 : vector<1000x1xf32>
    %reduce_sum3A_52 = vector.shape_cast %mul3A_43 : vector<1000x1xf32> to vector<1x1000x1xf32>
    %reduce_sum3A_53 = arith.constant dense<0.000000e+00> : vector<1xf32>
    %reduce_sum3A_54 = vector.multi_reduction <add>, %reduce_sum3A_52, %reduce_sum3A_53 [1, 2] : vector<1x1000x1xf32> to vector<1xf32>
    %reduce_sum3A_55 = vector.shape_cast %reduce_sum3A_54 : vector<1xf32> to vector<1x1x1xf32>
    %reduce_sum3A_56 = vector.extract %reduce_sum3A_55[0, 0, 0] : f32 from vector<1x1x1xf32>
    %mul3A_57 = arith.mulf %mul3A_43, %mul3A_43 : vector<1000x1xf32>
    %reduce_sum3A_58 = vector.shape_cast %mul3A_57 : vector<1000x1xf32> to vector<1x1000x1xf32>
    %reduce_sum3A_59 = arith.constant dense<0.000000e+00> : vector<1xf32>
    %reduce_sum3A_60 = vector.multi_reduction <add>, %reduce_sum3A_58, %reduce_sum3A_59 [1, 2] : vector<1x1000x1xf32> to vector<1xf32>
    %reduce_sum3A_61 = vector.shape_cast %reduce_sum3A_60 : vector<1xf32> to vector<1x1x1xf32>
    %reduce_sum3A_62 = vector.extract %reduce_sum3A_61[0, 0, 0] : f32 from vector<1x1x1xf32>
    %reduce_sum3A_63 = vector.shape_cast %sqrt3A : vector<1000x1xf32> to vector<1x1000x1xf32>
    %reduce_sum3A_64 = arith.constant dense<0.000000e+00> : vector<1xf32>
    %reduce_sum3A_65 = vector.multi_reduction <add>, %reduce_sum3A_63, %reduce_sum3A_64 [1, 2] : vector<1x1000x1xf32> to vector<1xf32>
    %reduce_sum3A_66 = vector.shape_cast %reduce_sum3A_65 : vector<1xf32> to vector<1x1x1xf32>
    %reduce_sum3A_67 = vector.extract %reduce_sum3A_66[0, 0, 0] : f32 from vector<1x1x1xf32>
    %mul3A_68 = arith.mulf %sqrt3A, %sqrt3A : vector<1000x1xf32>
    %reduce_sum3A_69 = vector.shape_cast %mul3A_68 : vector<1000x1xf32> to vector<1x1000x1xf32>
    %reduce_sum3A_70 = arith.constant dense<0.000000e+00> : vector<1xf32>
    %reduce_sum3A_71 = vector.multi_reduction <add>, %reduce_sum3A_69, %reduce_sum3A_70 [1, 2] : vector<1x1000x1xf32> to vector<1xf32>
    %reduce_sum3A_72 = vector.shape_cast %reduce_sum3A_71 : vector<1xf32> to vector<1x1x1xf32>
    %reduce_sum3A_73 = vector.extract %reduce_sum3A_72[0, 0, 0] : f32 from vector<1x1x1xf32>
    %eq3A = arith.constant 0 : i32
    %eq3A_74 = arith.cmpi eq, %arg0, %eq3A : i32
    %convert_element_type3A = arith.extui %eq3A_74 : i1 to i32
    %cond3A = arith.constant 0 : i32
    %cond3A_75 = arith.cmpi ne, %convert_element_type3A, %cond3A : i32
    scf.if %cond3A_75 {
      %swap3A_101 = arith.constant 0.000000e+00 : f32
      %swap3A_102 = arith.constant 0 : index
      %swap3A_103 = memref.load %arg8[%swap3A_102] : memref<4xf32, #tpu.memory_space<smem>>
      memref.store %swap3A_101, %arg8[%swap3A_102] : memref<4xf32, #tpu.memory_space<smem>>
      %swap3A_104 = arith.constant 0.000000e+00 : f32
      %swap3A_105 = arith.constant 1 : index
      %swap3A_106 = memref.load %arg8[%swap3A_105] : memref<4xf32, #tpu.memory_space<smem>>
      memref.store %swap3A_104, %arg8[%swap3A_105] : memref<4xf32, #tpu.memory_space<smem>>
      %swap3A_107 = arith.constant 0.000000e+00 : f32
      %swap3A_108 = arith.constant 2 : index
      %swap3A_109 = memref.load %arg8[%swap3A_108] : memref<4xf32, #tpu.memory_space<smem>>
      memref.store %swap3A_107, %arg8[%swap3A_108] : memref<4xf32, #tpu.memory_space<smem>>
      %swap3A_110 = arith.constant 0.000000e+00 : f32
      %swap3A_111 = arith.constant 3 : index
      %swap3A_112 = memref.load %arg8[%swap3A_111] : memref<4xf32, #tpu.memory_space<smem>>
      memref.store %swap3A_110, %arg8[%swap3A_111] : memref<4xf32, #tpu.memory_space<smem>>
    } else {
    }
    %get3A_76 = arith.constant 0 : index
    %get3A_77 = memref.load %arg8[%get3A_76] : memref<4xf32, #tpu.memory_space<smem>>
    %add3A_78 = arith.addf %get3A_77, %reduce_sum3A_56 : f32
    %swap3A_79 = arith.constant 0 : index
    %swap3A_80 = memref.load %arg8[%swap3A_79] : memref<4xf32, #tpu.memory_space<smem>>
    memref.store %add3A_78, %arg8[%swap3A_79] : memref<4xf32, #tpu.memory_space<smem>>
    %get3A_81 = arith.constant 1 : index
    %get3A_82 = memref.load %arg8[%get3A_81] : memref<4xf32, #tpu.memory_space<smem>>
    %add3A_83 = arith.addf %get3A_82, %reduce_sum3A_62 : f32
    %swap3A_84 = arith.constant 1 : index
    %swap3A_85 = memref.load %arg8[%swap3A_84] : memref<4xf32, #tpu.memory_space<smem>>
    memref.store %add3A_83, %arg8[%swap3A_84] : memref<4xf32, #tpu.memory_space<smem>>
    %get3A_86 = arith.constant 2 : index
    %get3A_87 = memref.load %arg8[%get3A_86] : memref<4xf32, #tpu.memory_space<smem>>
    %add3A_88 = arith.addf %get3A_87, %reduce_sum3A_67 : f32
    %swap3A_89 = arith.constant 2 : index
    %swap3A_90 = memref.load %arg8[%swap3A_89] : memref<4xf32, #tpu.memory_space<smem>>
    memref.store %add3A_88, %arg8[%swap3A_89] : memref<4xf32, #tpu.memory_space<smem>>
    %get3A_91 = arith.constant 3 : index
    %get3A_92 = memref.load %arg8[%get3A_91] : memref<4xf32, #tpu.memory_space<smem>>
    %add3A_93 = arith.addf %get3A_92, %reduce_sum3A_73 : f32
    %swap3A_94 = arith.constant 3 : index
    %swap3A_95 = memref.load %arg8[%swap3A_94] : memref<4xf32, #tpu.memory_space<smem>>
    memref.store %add3A_93, %arg8[%swap3A_94] : memref<4xf32, #tpu.memory_space<smem>>
    %eq3A_96 = arith.constant 9 : i32
    %eq3A_97 = arith.cmpi eq, %arg0, %eq3A_96 : i32
    %convert_element_type3A_98 = arith.extui %eq3A_97 : i1 to i32
    %cond3A_99 = arith.constant 0 : i32
    %cond3A_100 = arith.cmpi ne, %convert_element_type3A_98, %cond3A_99 : i32
    scf.if %cond3A_100 {
      %get3A_101 = arith.constant 0 : index
      %get3A_102 = memref.load %arg8[%get3A_101] : memref<4xf32, #tpu.memory_space<smem>>
      %mul3A_103 = arith.constant 9.99999974E-5 : f32
      %mul3A_104 = arith.mulf %get3A_102, %mul3A_103 : f32
      %get3A_105 = arith.constant 1 : index
      %get3A_106 = memref.load %arg8[%get3A_105] : memref<4xf32, #tpu.memory_space<smem>>
      %mul3A_107 = arith.constant 9.99999974E-5 : f32
      %mul3A_108 = arith.mulf %get3A_106, %mul3A_107 : f32
      %mul3A_109 = arith.mulf %mul3A_104, %mul3A_104 : f32
      %sub3A_110 = arith.subf %mul3A_108, %mul3A_109 : f32
      %max3A_111 = arith.constant 0.000000e+00 : f32
      %max3A_112 = arith.maximumf %sub3A_110, %max3A_111 : f32
      %get3A_113 = arith.constant 2 : index
      %get3A_114 = memref.load %arg8[%get3A_113] : memref<4xf32, #tpu.memory_space<smem>>
      %mul3A_115 = arith.constant 9.99999974E-5 : f32
      %mul3A_116 = arith.mulf %get3A_114, %mul3A_115 : f32
      %get3A_117 = arith.constant 3 : index
      %get3A_118 = memref.load %arg8[%get3A_117] : memref<4xf32, #tpu.memory_space<smem>>
      %mul3A_119 = arith.constant 9.99999974E-5 : f32
      %mul3A_120 = arith.mulf %get3A_118, %mul3A_119 : f32
      %mul3A_121 = arith.mulf %mul3A_116, %mul3A_116 : f32
      %sub3A_122 = arith.subf %mul3A_120, %mul3A_121 : f32
      %max3A_123 = arith.constant 0.000000e+00 : f32
      %max3A_124 = arith.maximumf %sub3A_122, %max3A_123 : f32
      %sqrt3A_125 = math.sqrt %max3A_112 : f32
      %sqrt3A_126 = math.sqrt %max3A_124 : f32
      %iota3A = tpu.iota {dimensions = array<i32: 0>} : vector<8x128xi32>
      %eq3A_127 = arith.constant 0 : i32
      %eq3A_128 = vector.broadcast %eq3A_127 : i32 to vector<8x128xi32>
      %eq3A_129 = arith.cmpi eq, %iota3A, %eq3A_128 : vector<8x128xi32>
      %broadcast_in_dim3A_130 = vector.broadcast %sqrt3A_125 : f32 to vector<8x128xf32>
      %broadcast_in_dim3A_131 = vector.broadcast %sqrt3A_126 : f32 to vector<8x128xf32>
      %select_n3A = arith.select %eq3A_129, %broadcast_in_dim3A_130, %broadcast_in_dim3A_131 : vector<8x128xi1>, vector<8x128xf32>
      %swap3A_132 = arith.constant 0 : index
      %swap3A_133 = arith.constant 0 : index
      %swap3A_134 = vector.load %arg7[%swap3A_132, %swap3A_133] : memref<8x128xf32, #tpu.memory_space<vmem>>, vector<8x128xf32>
      tpu.vector_store %arg7[%swap3A_132, %swap3A_133], %select_n3A {strides = array<i32>} : memref<8x128xf32, #tpu.memory_space<vmem>>, vector<8x128xf32>,
    } else {
    }
    return
  }
  func.func @transform_0(%arg0: i32) -> (i32, i32, i32) {
    %c0_i32 = arith.constant 0 : i32
    %c0_i32_0 = arith.constant 0 : i32
    %c0_i32_1 = arith.constant 0 : i32
    return %c0_i32, %arg0, %c0_i32_0 : i32, i32, i32
  }
  func.func @transform_1(%arg0: i32) -> (i32, i32, i32) {
    %c0_i32 = arith.constant 0 : i32
    %c0_i32_0 = arith.constant 0 : i32
    %c0_i32_1 = arith.constant 0 : i32
    return %c0_i32, %arg0, %c0_i32_0 : i32, i32, i32
  }
  func.func @transform_2(%arg0: i32) -> (i32, i32) {
    %c0_i32 = arith.constant 0 : i32
    %c0_i32_0 = arith.constant 0 : i32
    return %arg0, %c0_i32 : i32, i32
  }
  func.func @transform_3(%arg0: i32) -> (i32, i32) {
    %c0_i32 = arith.constant 0 : i32
    %c0_i32_0 = arith.constant 0 : i32
    %c0_i32_1 = arith.constant 0 : i32
    return %c0_i32, %c0_i32_0 : i32, i32
  }
  func.func @transform_4(%arg0: i32) -> (i32, i32) {
    %c0_i32 = arith.constant 0 : i32
    %c0_i32_0 = arith.constant 0 : i32
    %c0_i32_1 = arith.constant 0 : i32
    return %c0_i32, %c0_i32_0 : i32, i32
  }
  func.func @transform_5(%arg0: i32) -> (i32, i32) {
    %c0_i32 = arith.constant 0 : i32
    %c0_i32_0 = arith.constant 0 : i32
    return %arg0, %c0_i32 : i32, i32
  }
  func.func @transform_6(%arg0: i32) -> (i32, i32) {
    %c0_i32 = arith.constant 0 : i32
    %c0_i32_0 = arith.constant 0 : i32
    %c0_i32_1 = arith.constant 0 : i32
    return %c0_i32, %c0_i32_0 : i32, i32
  }
}

module attributes {stable_mosaic.version = 14 : i64} {
  func.func @_z_body(%arg0: i32, %arg1: memref<1000x128xf32, #tpu.memory_space<vmem>>, %arg2: memref<8x128xf32, #tpu.memory_space<vmem>>, %arg3: memref<1000x1xf32, #tpu.memory_space<vmem>>, %arg4: memref<1000x1xf32, #tpu.memory_space<vmem>>, %arg5: memref<1000x128xf32, #tpu.memory_space<vmem>>) attributes {dimension_semantics = [#tpu.dimension_semantics<arbitrary>], iteration_bounds = array<i64: 10>, scalar_prefetch = 0 : i64, scratch_operands = 0 : i64, tpu.core_type = #tpu.core_type<tc>, window_params = [{transform_indices = @transform_0, window_bounds = array<i64: 1000, 128>}, {pipeline_mode = #tpu.pipeline_mode<synchronous>, transform_indices = @transform_1, window_bounds = array<i64: 8, 128>}, {transform_indices = @transform_2, window_bounds = array<i64: 1000, 1>}, {transform_indices = @transform_3, window_bounds = array<i64: 1000, 1>}, {transform_indices = @transform_4, window_bounds = array<i64: 1000, 128>}]} {
    %get3A = arith.constant 0 : index
    %get3A_0 = arith.constant 0 : index
    %get3A_1 = vector.load %arg1[%get3A, %get3A_0] : memref<1000x128xf32, #tpu.memory_space<vmem>>, vector<1000x128xf32>
    %reduce_sum3A = arith.constant dense<0.000000e+00> : vector<1000xf32>
    %reduce_sum3A_2 = vector.multi_reduction <add>, %get3A_1, %reduce_sum3A [1] : vector<1000x128xf32> to vector<1000xf32>
    %broadcast_in_dim3A = vector.shape_cast %reduce_sum3A_2 : vector<1000xf32> to vector<1000x1xf32>
    %mul3A = arith.constant 7.812500e-03 : f32
    %mul3A_3 = vector.broadcast %mul3A : f32 to vector<1000x1xf32>
    %mul3A_4 = arith.mulf %broadcast_in_dim3A, %mul3A_3 : vector<1000x1xf32>
    %sub3A = vector.broadcast %mul3A_4 : vector<1000x1xf32> to vector<1000x128xf32>
    %sub3A_5 = arith.subf %get3A_1, %sub3A : vector<1000x128xf32>
    %mul3A_6 = arith.mulf %sub3A_5, %sub3A_5 : vector<1000x128xf32>
    %reduce_sum3A_7 = arith.constant dense<0.000000e+00> : vector<1000xf32>
    %reduce_sum3A_8 = vector.multi_reduction <add>, %mul3A_6, %reduce_sum3A_7 [1] : vector<1000x128xf32> to vector<1000xf32>
    %broadcast_in_dim3A_9 = vector.shape_cast %reduce_sum3A_8 : vector<1000xf32> to vector<1000x1xf32>
    %mul3A_10 = arith.constant 7.812500e-03 : f32
    %mul3A_11 = vector.broadcast %mul3A_10 : f32 to vector<1000x1xf32>
    %mul3A_12 = arith.mulf %broadcast_in_dim3A_9, %mul3A_11 : vector<1000x1xf32>
    %sqrt3A = math.sqrt %mul3A_12 : vector<1000x1xf32>
    %get3A_13 = arith.constant 0 : index
    %get3A_14 = arith.constant 0 : index
    %get3A_15 = vector.load %arg2[%get3A_13, %get3A_14] : memref<8x128xf32, #tpu.memory_space<vmem>>, vector<1x1xf32>
    %get3A_16 = vector.extract %get3A_15[0, 0] : f32 from vector<1x1xf32>
    %get3A_17 = arith.constant 1 : index
    %get3A_18 = arith.constant 0 : index
    %get3A_19 = vector.load %arg2[%get3A_17, %get3A_18] : memref<8x128xf32, #tpu.memory_space<vmem>>, vector<1x1xf32>
    %get3A_20 = vector.extract %get3A_19[0, 0] : f32 from vector<1x1xf32>
    %get3A_21 = arith.constant 0 : index
    %get3A_22 = arith.constant 0 : index
    %get3A_23 = vector.load %arg3[%get3A_21, %get3A_22] : memref<1000x1xf32, #tpu.memory_space<vmem>>, vector<1000x1xf32>
    %mul3A_24 = vector.broadcast %get3A_16 : f32 to vector<1000x1xf32>
    %mul3A_25 = arith.mulf %get3A_23, %mul3A_24 : vector<1000x1xf32>
    %add3A = arith.addf %mul3A_4, %mul3A_25 : vector<1000x1xf32>
    %get3A_26 = arith.constant 0 : index
    %get3A_27 = arith.constant 0 : index
    %get3A_28 = vector.load %arg4[%get3A_26, %get3A_27] : memref<1000x1xf32, #tpu.memory_space<vmem>>, vector<1000x1xf32>
    %mul3A_29 = vector.broadcast %get3A_20 : f32 to vector<1000x1xf32>
    %mul3A_30 = arith.mulf %get3A_28, %mul3A_29 : vector<1000x1xf32>
    %add3A_31 = arith.addf %sqrt3A, %mul3A_30 : vector<1000x1xf32>
    %add3A_32 = arith.constant 9.99999974E-6 : f32
    %add3A_33 = vector.broadcast %add3A_32 : f32 to vector<1000x1xf32>
    %add3A_34 = arith.addf %sqrt3A, %add3A_33 : vector<1000x1xf32>
    %div3A = vector.broadcast %add3A_34 : vector<1000x1xf32> to vector<1000x128xf32>
    %div3A_35 = arith.divf %sub3A_5, %div3A : vector<1000x128xf32>
    %mul3A_36 = vector.broadcast %add3A_31 : vector<1000x1xf32> to vector<1000x128xf32>
    %mul3A_37 = arith.mulf %mul3A_36, %div3A_35 : vector<1000x128xf32>
    %add3A_38 = vector.broadcast %add3A : vector<1000x1xf32> to vector<1000x128xf32>
    %add3A_39 = arith.addf %add3A_38, %mul3A_37 : vector<1000x128xf32>
    %swap3A = arith.constant 0 : index
    %swap3A_40 = arith.constant 0 : index
    %swap3A_41 = vector.load %arg5[%swap3A, %swap3A_40] : memref<1000x128xf32, #tpu.memory_space<vmem>>, vector<1000x128xf32>
    tpu.vector_store %arg5[%swap3A, %swap3A_40], %add3A_39 {strides = array<i32>} : memref<1000x128xf32, #tpu.memory_space<vmem>>, vector<1000x128xf32>,
    return
  }
  func.func @transform_0(%arg0: i32) -> (i32, i32) {
    %c0_i32 = arith.constant 0 : i32
    %c0_i32_0 = arith.constant 0 : i32
    return %arg0, %c0_i32 : i32, i32
  }
  func.func @transform_1(%arg0: i32) -> (i32, i32) {
    %c0_i32 = arith.constant 0 : i32
    %c0_i32_0 = arith.constant 0 : i32
    %c0_i32_1 = arith.constant 0 : i32
    return %c0_i32, %c0_i32_0 : i32, i32
  }
  func.func @transform_2(%arg0: i32) -> (i32, i32) {
    %c0_i32 = arith.constant 0 : i32
    %c0_i32_0 = arith.constant 0 : i32
    return %arg0, %c0_i32 : i32, i32
  }
  func.func @transform_3(%arg0: i32) -> (i32, i32) {
    %c0_i32 = arith.constant 0 : i32
    %c0_i32_0 = arith.constant 0 : i32
    return %arg0, %c0_i32 : i32, i32
  }
  func.func @transform_4(%arg0: i32) -> (i32, i32) {
    %c0_i32 = arith.constant 0 : i32
    %c0_i32_0 = arith.constant 0 : i32
    return %arg0, %c0_i32 : i32, i32
  }
}

</mosaic_0001>

<sc_bundles>
// kernel: kernel.11.cloned.1.call-start
scs
__scs_entry_jumppad:
0x0: {  	(pc) =	sbr.rel $0x88, $3  }
0x1: {  	(tag) =	ssettag $0x0;
	lr =	simm.s32 $0x1  }
0x2: {  	[smem:$0x3F99] =	sst lr;
	_ =	strace $0xD0000000  }
0x3: {  	_ = 	snop  }
0x4: {  	_ = 	snop  }
0x5: {  	_ = 	snop  }
0x6: {  	_ = 	snop  }
0x7: {  	_ = 	snop  }
__scs_overlays_trampoline_lowered:
0x8: {  	[smem:$0x3FA8] =	sst s0  }
0x9: {  	[smem:$0x3FA9] =	sst s1  }
0xa: {  	[smem:$0x3FAA] =	sst s2  }
0xb: {  	[smem:$0x3FAB] =	sst s3  }
0xc: {  	[smem:$0x3FAC] =	sst s4  }
0xd: {  	[smem:$0x3FAD] =	sst s5  }
0xe: {  	[smem:$0x3FAE] =	sst s6  }
0xf: {  	[smem:$0x3FAF] =	sst s7  }
0x10: {  	[smem:$0x3FB0] =	sst s8  }
0x11: {  	[smem:$0x3FB1] =	sst s9;
	s0 =	simm.s32 @!p0 $0x0  }
0x12: {  	s1 =	sld [smem:$0x3F97];
	s0 =	simm.s32 @p0 $0x1  }
0x13: {  	[smem:$0x3FB2] =	sst s0;
	s0 =	simm.s32 @!p1 $0x0  }
0x14: {  	s2 =	sld [smem:$0x3F96];
	s0 =	simm.s32 @p1 $0x1  }
0x15: {  	[smem:$0x3FB3] =	sst s0;
	s0 =	simm.s32 @!p2 $0x0  }
0x16: {  	s3 =	sld [smem:$0x3FDB];
	s0 =	simm.s32 @p2 $0x1  }
0x17: {  	s4 =	simm.s32 $0x1BF5;
	[smem:$0x3FB5] =	sst s0  }
0x18: {  	s0 =	sld [smem:$0x3F98];
	_ =	swait.ge [sflag:s4], $0x0  }
0x19: {  	s7 =	sld [smem:$0x3F99]  }
0x1a: {  	s8 =	sadd.s32 $0xFFFFE003, lr  }
0x1b: {  	s9 =	sadd.s32 $0xFFFFFEF7, lr;
	s5 =	simm.s32 $0xFFFFFFFF;
	p2 =	slt.u32 s8, $0xFFFFF086  }
0x1c: {  	p1 =	slt.u32 s9, $0xF7A;
	s5 =	simm.s32 @!p2 $0x0  }
0x1d: {  	s5 =	simm.s32 @p1 $0x1;
	p0 =	seq.s32 s7, s2  }
0x1e: {  	s7 =	smul.u32 @!p0 $0xF7A, s2;
	p2 =	seq.s32 @!p0 s5, $0x0  }
0x1f: {  	s9 =	smul.u32 $0xF7A, s1;
	s8 =	simm.s32 @!p0 $0x1BF5;
	p2 =	por !p2, p0  }
0x20: {  	[sflag:s8] =	ssyncset.s32 @!p0 $0xFFFFF086;
	s6 =	sadd.s32 @!p0 s3, s7;
	s7 =	simm.s32 @!p0 $0x108  }
0x21: {  	s3 =	sadd.s32 s3, s9;
	s6 =	sadd.s32 @!p0 $0x88, s6;
	s7 =	simm.s32 @p2 $0x1082  }
0x22: {  	[simem:s7], [sflag:s8] =	dma.local @!p0 [hbm:s6], $0xF7A  }
0x23: {  	s9 =	sor.u32 $0xD0000000, s2;
	s6 =	simm.s32 $0x108;
	_ =	swait.ge @!p0 [sflag:s8], $0x0  }
0x24: {  	s3 =	sadd.s32 $0x88, s3;
	s6 =	simm.s32 @!p1 $0x1082;
	[sflag:s4] =	ssyncset.s32 $0xFFFFF086  }
0x25: {  	[simem:s6], [sflag:s4] =	dma.local [hbm:s3], $0xF7A  }
0x26: {  	[smem:$0x3F99] =	sst s1;
	(tag) =	ssettag s2;
	_ =	strace s9  }
0x27: {  	s1 =	sld [smem:$0x3FA9]  }
0x28: {  	s2 =	sld [smem:$0x3FAA]  }
0x29: {  	s4 =	sld [smem:$0x3FAC]  }
0x2a: {  	p0 =	seq.s32 s5, $0x0;
	s5 =	sld [smem:$0x3FAD]  }
0x2b: {  	s6 =	sld [smem:$0x3FAE]  }
0x2c: {  	s7 =	sld [smem:$0x3FAF]  }
0x2d: {  	s3 =	simm.s32 $0x108;
	s8 =	sld [smem:$0x3FB0]  }
0x2e: {  	s3 =	simm.s32 @!p0 $0x1082;
	s9 =	sld [smem:$0x3FB1]  }
0x2f: {  	lr =	sadd.s32 s0, s3;
	s0 =	sld [smem:$0x3FA8]  }
0x30: {  	s3 =	sld [smem:$0x3FAB]  }
0x31: {  	[smem:$0x3FB4] =	sst s10  }
0x32: {  	s10 =	sld [smem:$0x3FB2];
	_ =	sdelay $0x3  }
0x33: {  	p0 =	seq.s32 s10, $0x1;
	s10 =	sld [smem:$0x3FB4];
	_ =	sdelay $0x3  }
0x34: {  	[smem:$0x3FB4] =	sst s10  }
0x35: {  	s10 =	sld [smem:$0x3FB3];
	_ =	sdelay $0x3  }
0x36: {  	p1 =	seq.s32 s10, $0x1;
	s10 =	sld [smem:$0x3FB4];
	_ =	sdelay $0x3  }
0x37: {  	[smem:$0x3FB4] =	sst s10  }
0x38: {  	s10 =	sld [smem:$0x3FB5]  }
0x39: {  	_ = 	snop;
	(pc) =	sbr.ind lr, $3  }
0x3a: {  	_ = 	snop  }
0x3b: {  	_ = 	snop  }
0x3c: {  	p2 =	seq.s32 s10, $0x1;
	s10 =	sld [smem:$0x3FB4]  }
0x3d: {  	_ =	shalt  }
0x3e: {  	_ =	shalt  }
0x3f: {  	_ =	shalt  }
0x40: {  	_ =	shalt  }
0x41: {  	_ =	shalt  }
0x42: {  	_ =	shalt  }
0x43: {  	_ =	shalt  }
0x44: {  	_ =	shalt  }
0x45: {  	_ =	shalt  }
0x46: {  	_ =	shalt  }
0x47: {  	_ =	shalt  }
0x48: {  	_ =	shalt  }
0x49: {  	_ =	shalt  }
0x4a: {  	_ =	shalt  }
0x4b: {  	_ =	shalt  }
0x4c: {  	_ =	shalt  }
0x4d: {  	_ =	shalt  }
0x4e: {  	_ =	shalt  }
0x4f: {  	_ =	shalt  }
0x50: {  	_ =	shalt  }
0x51: {  	_ =	shalt  }
0x52: {  	_ =	shalt  }
0x53: {  	_ =	shalt  }
0x54: {  	_ =	shalt  }
0x55: {  	_ =	shalt  }
0x56: {  	_ =	shalt  }
0x57: {  	_ =	shalt  }
0x58: {  	_ =	shalt  }
0x59: {  	_ =	shalt  }
0x5a: {  	_ =	shalt  }
0x5b: {  	_ =	shalt  }
0x5c: {  	_ =	shalt  }
0x5d: {  	_ =	shalt  }
0x5e: {  	_ =	shalt  }
0x5f: {  	_ =	shalt  }
0x60: {  	_ =	shalt  }
0x61: {  	_ =	shalt  }
0x62: {  	_ =	shalt  }
0x63: {  	_ =	shalt  }
0x64: {  	_ =	shalt  }
0x65: {  	_ =	shalt  }
0x66: {  	_ =	shalt  }
0x67: {  	_ =	shalt  }
0x68: {  	_ =	shalt  }
0x69: {  	_ =	shalt  }
0x6a: {  	_ =	shalt  }
0x6b: {  	_ =	shalt  }
0x6c: {  	_ =	shalt  }
0x6d: {  	_ =	shalt  }
0x6e: {  	_ =	shalt  }
0x6f: {  	_ =	shalt  }
0x70: {  	_ =	shalt  }
0x71: {  	_ =	shalt  }
0x72: {  	_ =	shalt  }
0x73: {  	_ =	shalt  }
0x74: {  	_ =	shalt  }
0x75: {  	_ =	shalt  }
0x76: {  	_ =	shalt  }
0x77: {  	_ =	shalt  }
0x78: {  	_ =	shalt  }
0x79: {  	_ =	shalt  }
0x7a: {  	_ =	shalt  }
0x7b: {  	_ =	shalt  }
0x7c: {  	_ =	shalt  }
0x7d: {  	_ =	shalt  }
0x7e: {  	_ =	shalt  }
0x7f: {  	_ =	shalt  }
0x80: {  	_ =	shalt  }
0x81: {  	_ =	shalt  }
0x82: {  	_ =	shalt  }
0x83: {  	_ =	shalt  }
0x84: {  	_ =	shalt  }
0x85: {  	_ =	shalt  }
0x86: {  	_ =	shalt  }
0x87: {  	_ =	shalt  }
.Lfunc_end0:
.L_simem_size_0:
called_computation.1_lowered:
.L_overlay_start_0:
0x88: {  	s2 =	sld [smem:$0x3FD9]  }
0x89: {  	s3 =	sld [smem:$0x3FFE];
	_ =	sdelay $0x1  }
0x8a: {  	s1 =	srdreg.scid  }
0x8b: {  	s0 =	sand.u32 $0x1, s1  }
0x8c: {  	s14 =	sshll.u32 s0, $0xA;
	s2 =	sadd.s32 s3, s2  }
0x8d: {  	s2 =	sadd.s32 s2, s14  }
0x8e: {  	[smem:$0x3FC0] =	sst s2  }
0x8f: {  	_ = 	snop  }
0x90: {  	s2 =	sld [smem:$0x3FD0];
	_ =	sdelay $0x2  }
0x91: {  	s15 =	simm.s32 $0xB;
	s4 =	simm.s32 $0x10  }
0x92: {  	[smem:s4], [sflag:s15] =	dma.local [hbm:s2], $0x1  }
0x93: {  	_ =	swait.eq [sflag:s15], $0x1  }
0x94: {  	[sflag:s15] =	ssyncset.done $0x0  }
0x95: {  	[sflag:s15] =	ssyncadd.s32 $0xFFFFFFFF  }
0x96: {  	s16 =	sld [smem:$0x11];
	(tm) =	ssettm $0x1  }
0x97: {  	s17 =	sld [smem:$0x3FFB];
	_ =	sdelay $0x3  }
0x98: {  	_ =	strace s17  }
0x99: {  	s3 =	sld [smem:$0x3FFC];
	_ =	sdelay $0x3  }
0x9a: {  	_ =	strace s3  }
0x9b: {  	s3 =	sld [smem:$0x3FFD];
	_ =	sdelay $0x3  }
0x9c: {  	_ =	strace s3  }
0x9d: {  	_ =	strace $0x8FFFFFFF  }
0x9e: {  	s18 =	sld [smem:$0x3FDB];
	_ =	sdelay $0x1  }
0x9f: {  	s19 =	simm.s32 $_scs_section_size  }
0xa0: {  	s5 =	simm.s32 $_size__tile_overlayer_lowered;
	s6 =	simm.s32 $_tile_overlayer_lowered  }
0xa1: {  	s22 =	simm.s32 $0x1BFF;
	s21 =	sshll.u32 s6, $0x1;
	s3 =	sadd.s32 s19, s18  }
0xa2: {  	s7 =	simm.s32 $0x0;
	s20 =	sshll.u32 s5, $0x1;
	s5 =	sadd.s32 s21, s3  }
0xa3: {  	[timem:s7], [sflag:s22] =	dma.local [hbm:s5], s20  }
0xa4: {  	_ =	swait.ge [sflag:s22], s20  }
0xa5: {  	s4 =	ssub.s32 $0x0, s20;
	[sflag:s22] =	ssyncset.done $0x0  }
0xa6: {  	[sflag:s22] =	ssyncadd.s32 s4;
	_ =	sdelay $0x1  }
0xa7: {  	s23 =	simm.s32 $0x1B8B  }
0xa8: {  	_ =	swait.ge [sflag:s23], $0x1  }
0xa9: {  	[sflag:s23] =	ssyncset.done $0x0  }
0xaa: {  	s25 =	simm.s32 $0x1B8E;
	s24 =	sld [smem:$0x3FFE];
	[sflag:s23] =	ssyncadd.s32 $0xFFFFFFFF  }
0xab: {  	s26 =	simm.s32 $execute0_lowered;
	[smem:$0x3FD2] =	sst s25  }
0xac: {  	s5 =	sshll.u32 s26, $0x1;
	_ =	strace $0x80000046;
	[dreg:$0x1] =	wrdreg $0xFFFFFFFF  }
0xad: {  	s28 =	simm.s32 $_size_execute0_lowered;
	s3 =	sadd.s32 s3, s5;
	[dreg:$0x0] =	wrdreg $0x0  }
0xae: {  	s5 =	sshll.u32 s28, $0x1;
	[dreg:$0x2] =	wrdreg s3  }
0xaf: {  	[dreg:$0x3] =	wrdreg s5  }
0xb0: {  	[dreg:$0x4] =	wrdreg $0xC0  }
0xb1: {  	_ =	task [dreg:s7], $0x5FFFF  }
0xb2: {  	[dreg:$0x1] =	wrdreg $0xFFFFFFFF  }
0xb3: {  	[dreg:$0x0] =	wrdreg $0x60  }
0xb4: {  	[dreg:$0x2] =	wrdreg s16  }
0xb5: {  	[dreg:$0x3] =	wrdreg s24  }
0xb6: {  	[dreg:$0x4] =	wrdreg $0x2EE00  }
0xb7: {  	[dreg:$0x5] =	wrdreg $0xA  }
0xb8: {  	_ =	task.clear_ibuf [dreg:s7], $0x6FFFF;
	_ =	strace $0x90000046  }
0xb9: {  	s29 =	simm.s32 $0xA;
	_ =	strace $0x80000048  }
0xba: {  	_ =	swait.ge [sflag:s29], $0x1  }
0xbb: {  	[sflag:s29] =	ssyncadd.s32 $0xFFFFFFFF  }
0xbc: {  	_ =	strace $0x90000048  }
0xbd: {  	_ =	sfence  }
0xbe: {  	s30 =	sld [smem:$0x0];
	_ =	sdelay $0x2  }
0xbf: {  	s31 =	sshll.u32 s1, $0xD;
	s1 =	sshrl.u32 s1, $0x2  }
0xc0: {  	s3 =	sand.u32 $0x4000, s31;
	s1 =	sadd.s32 s1, s30  }
0xc1: {  	s0 =	sor.u32 s3, s0;
	s1 =	sshll.u32 s1, $0x11  }
0xc2: {  	s0 =	sor.u32 s1, s0  }
0xc3: {  	s0 =	sadd.s32 $0x8F2B, s0  }
0xc4: {  	[sflag:s0] =	ssyncadd.remote.s32 $0x1  }
0xc5: {  	_ =	sfence.sel $0xFFFF  }
0xc6: {  	[dreg:$0x0] =	wrdreg $0xFFFFFFFF;
	(pc) =	sbr.abs _section_cstart, $3  }
0xc7: {  	[dreg:$0x1] =	wrdreg $0xFFFFFFFF  }
0xc8: {  	_ =	task.clear_ibuf [dreg:s7], $0x2FFFF;
	_ =	strace $0x9FFFFFFF  }
0xc9: {  	(tm) =	ssettm $0x7FFFFFFF  }
tec
execute0_lowered:
.L_overlay_start_1:
0x0: {  	(tag) =	ssettag $0x1  }
0x1: {  	s17 =	rddreg [dreg:$0x0]  }
0x2: {  	s6 =	rddreg [dreg:$0x1]  }
0x3: {  	s1 =	rddreg [dreg:$0x2]  }
0x4: {  	s0 =	rddreg [dreg:$0x3];
	s3 =	simm.s32 $0x0  }
0x5: {  	s4 =	srdreg.scid;
	s2 =	stileid.u32;
	s22 =	simm.s32 $0x0  }
0x6: {  	[smem:$0x7FF] =	sst s3;
	s11 =	sand.u32 $0x1, s4;
	s12 =	smul.u32 $0x2780, s2  }
0x7: {  	s4 =	sadd.s32 $0x2600, s6;
	s5 =	sadd.s32 $0x2400, s6;
	s15 =	sadd.s32 $0x2800, s6  }
0x8: {  	s21 =	smul.u32 $0x2BC0, s2;
	s31 =	sshll.u32 s2, $0x6;
	_ =	strace $0x80000047  }
0x9: {  	s7 =	ssub.s32 $0x2, s11;
	s19 =	smul.u32 $0x27800, s11;
	p0 =	seq.s32 s11, $0x0  }
0xa: {  	s23 =	sshrl.u32 s7, $0x1;
	s13 =	sadd.s32 $0x800, s12;
	s6 =	sadd.s32 s12, s1  }
0xb: {  	s14 =	sadd.s32 $0x1000, s12;
	s18 =	sadd.s32 $0x1800, s12;
	s20 =	sadd.s32 $0x2000, s12  }
0xc: {  	s16 =	ssub.s32 s7, s23;
	s7 =	sadd.s32 s13, s1;
	s8 =	sadd.s32 s14, s1  }
0xd: {  	s9 =	sadd.s32 s18, s1;
	s10 =	sadd.s32 s20, s1;
	s24 =	sadd.s32 s12, s19  }
0xe: {  	s25 =	sadd.s32 s19, s13;
	s26 =	sadd.s32 s19, s14;
	s14 =	simm.s32 $0x57800  }
0xf: {  	s18 =	sadd.s32 s19, s18;
	s19 =	sadd.s32 s19, s20;
	s20 =	sor.u32 $0x1C01, s31  }
0x10: {  	s11 =	sshrl.u32 s24, $0x3;
	s12 =	sshrl.u32 s25, $0x3;
	s13 =	sshrl.u32 s26, $0x3  }
0x11: {  	s14 =	simm.s32 @!p0 $0x83400;
	s18 =	sshrl.u32 s18, $0x3;
	s29 =	sshrl.u32 s19, $0x3  }
0x12: {  	s16 =	smax.u32 s16, $0x1;
	s19 =	simm.s32 $0x1;
	s11 =	sadd.s32 s15, s11  }
0x13: {  	s12 =	sadd.s32 s15, s12;
	s13 =	sadd.s32 s15, s13;
	s28 =	sadd.s32 s14, s21  }
0x14: {  	s14 =	sadd.s32 s15, s18;
	s15 =	sadd.s32 s15, s29;
	s30 =	sshrl.u32 s28, $0x3  }
0x15: {  	s18 =	simm.s32 $0x2BC0;
	s21 =	simm.s32 $0x32;
	s17 =	sadd.s32 s17, s30  }
.LBB2_1:
0x16: {  	[tilespmem:s18], [sflag:$0x1] =	stream.linear.gather [hbm4b:s4+s3], $0x320, $0x38;
	[tilespmem:$0x5660] =	vst v63  }
0x17: {  	_ =	swait.ge [sflag:s19], $0x320  }
0x18: {  	[sflag:s19] =	ssyncset.done $0x0  }
0x19: {  	s23 =	sshrl.u32 s6, $0x3;
	[sflag:s19] =	ssyncadd.s32 $0xFFFFFCE0  }
0x1a: {  	[spmem:s23], [sflag:s20] =	dma.local [hbm:s5], $0x100  }
0x1b: {  	_ =	swait.ge [sflag:s19], $0x100  }
0x1c: {  	[sflag:s19] =	ssyncset.done $0x0  }
0x1d: {  	s24 =	sshrl.u32 s7, $0x3;
	[sflag:s19] =	ssyncadd.s32 $0xFFFFFF00  }
0x1e: {  	[spmem:s24], [sflag:s20] =	dma.local [hbm:s5], $0x100  }
0x1f: {  	_ =	swait.ge [sflag:s19], $0x100  }
0x20: {  	[sflag:s19] =	ssyncset.done $0x0  }
0x21: {  	s25 =	sshrl.u32 s8, $0x3;
	[sflag:s19] =	ssyncadd.s32 $0xFFFFFF00  }
0x22: {  	[spmem:s25], [sflag:s20] =	dma.local [hbm:s5], $0x100  }
0x23: {  	_ =	swait.ge [sflag:s19], $0x100  }
0x24: {  	[sflag:s19] =	ssyncset.done $0x0  }
0x25: {  	s26 =	sshrl.u32 s9, $0x3;
	[sflag:s19] =	ssyncadd.s32 $0xFFFFFF00  }
0x26: {  	[spmem:s26], [sflag:s20] =	dma.local [hbm:s5], $0x100  }
0x27: {  	_ =	swait.ge [sflag:s19], $0x100  }
0x28: {  	[sflag:s19] =	ssyncset.done $0x0  }
0x29: {  	s28 =	sshrl.u32 s10, $0x3;
	[sflag:s19] =	ssyncadd.s32 $0xFFFFFF00  }
0x2a: {  	[spmem:s28], [sflag:s20] =	dma.local [hbm:s5], $0xF0  }
0x2b: {  	_ =	swait.ge [sflag:s19], $0xF0  }
0x2c: {  	[sflag:s19] =	ssyncset.done $0x0  }
0x2d: {  	[sflag:s19] =	ssyncadd.s32 $0xFFFFFF10  }
0x2e: {  	[tilespmem:s3], [sflag:$0x1] =	stream.linear.gather [hbm4b:s17+s3], $0x2BC0, $0x38;
	[tilespmem:$0x5660] =	vst v63  }
0x2f: {  	_ =	swait.ge [sflag:s19], $0x2BC0  }
0x30: {  	[sflag:s19] =	ssyncset.done $0x0  }
0x31: {  	[sflag:s19] =	ssyncadd.s32 $0xFFFFD440  }
0x32: {  	s29 =	simm.s32 $0x0;
	[bflag:$0x0] =	sbarrier.arrive $0xFFFF  }
0x33: {  	[spmem:s1] =	stream.indirect.scatter.add.f32 [tilespmem:s18], [sflag:$0x1], $0x10, s29, s21, $0xb8;
	[tilespmem:$0x5660] =	vst v63  }
0x34: {  	_ =	swait.ge [sflag:s19], $0x320  }
0x35: {  	s29 =	simm.s32 $0xE0;
	[sflag:s19] =	ssyncset.done $0x0  }
.LBB2_2:
0x36: {  	s30 =	sshra.s32 s29, $0x2;
	[sflag:s19] =	ssyncadd.s32 $0xFFFFFCE0;
	p0 =	sne.s32 s29, $0xAE20  }
0x37: {  	[spmem:s1] =	stream.indirect.scatter.add.f32 [tilespmem:s18], [sflag:$0x1], $0x10, s30, s21, $0xb8;
	[tilespmem:$0x5660] =	vst v63  }
.Ltmp0:
0x38: {  	_ = 	snop;
	(pc) =	sbr.rel @p0 .LBB2_2-.Ltmp0, $4  }
0x39: {  	_ = 	snop  }
0x3a: {  	s29 =	sadd.s32 $0xE0, s29  }
0x3b: {  	_ =	swait.ge [sflag:s19], $0x320  }
0x3c: {  	[sflag:s19] =	ssyncset.done $0x0  }
0x3d: {  	[sflag:s19] =	ssyncadd.s32 $0xFFFFFCE0  }
0x3e: {  	[bflag:$0x0] =	sbarrier.arrive $0xFFFF  }
0x3f: {  	[hbm:s11], [sflag:s20] =	dma.local [spmem:s23], $0x100  }
0x40: {  	_ =	swait.ge [sflag:s19], $0x100  }
0x41: {  	[sflag:s19] =	ssyncset.done $0x0  }
0x42: {  	[sflag:s19] =	ssyncadd.s32 $0xFFFFFF00  }
0x43: {  	[hbm:s12], [sflag:s20] =	dma.local [spmem:s24], $0x100  }
0x44: {  	_ =	swait.ge [sflag:s19], $0x100  }
0x45: {  	[sflag:s19] =	ssyncset.done $0x0  }
0x46: {  	[sflag:s19] =	ssyncadd.s32 $0xFFFFFF00  }
0x47: {  	[hbm:s13], [sflag:s20] =	dma.local [spmem:s25], $0x100  }
0x48: {  	_ =	swait.ge [sflag:s19], $0x100  }
0x49: {  	[sflag:s19] =	ssyncset.done $0x0  }
0x4a: {  	[sflag:s19] =	ssyncadd.s32 $0xFFFFFF00  }
0x4b: {  	[hbm:s14], [sflag:s20] =	dma.local [spmem:s26], $0x100  }
0x4c: {  	s22 =	sadd.s32 $0x1, s22;
	_ =	swait.ge [sflag:s19], $0x100  }
0x4d: {  	p0 =	sne.s32 s22, s16;
	[sflag:s19] =	ssyncset.done $0x0  }
.Ltmp1:
0x4e: {  	[sflag:s19] =	ssyncadd.s32 $0xFFFFFF00;
	(pc) =	sbr.rel @p0 .LBB2_1-.Ltmp1, $4  }
0x4f: {  	[hbm:s15], [sflag:s20] =	dma.local [spmem:s28], $0xF0  }
0x50: {  	_ =	swait.ge [sflag:s19], $0xF0  }
0x51: {  	[sflag:s19] =	ssyncset.done $0x0  }
0x52: {  	[sflag:s19] =	ssyncadd.s32 $0xFFFFFF10  }
0x53: {  	_ =	sfence.sel $0x180000  }
0x54: {  	[bflag:$0x0] =	sbarrier.arrive $0xFFFF  }
0x55: {  	p0 =	sne.s32 s2, $0x0;
	_ =	strace $0x90000047  }
0x56: {  	s0 =	sadd.s32 @!p0 $0x100000, s0;
	[bflag:$0x2] =	sbarrier.arrive $0xFFFF  }
0x57: {  	[sflag:s0] =	ssyncadd.tile.s32 @!p0 $0x1;
	_ =	shalt  }
.Lfunc_end2:
_tile_overlayer_lowered:
.L_overlay_start_2:
0x58: {  	(tag) =	ssettag $0x2  }
0x59: {  	s0 =	rddreg [dreg:$0x0];
	s2 =	stileid.u32  }
0x5a: {  	s1 =	rddreg [dreg:$0x1];
	p0 =	sne.s32 s2, $0x0  }
0x5b: {  	s3 =	rddreg [dreg:$0x2];
	[bflag:$0x3] =	sbarrier.arrive $0xFFFF;
	s2 =	simm.s32 @!p0 $0x1C01  }
0x5c: {  	[timem:s3], [sflag:s2] =	dma.local @!p0 [hbm:s0], s1  }
0x5d: {  	s0 =	simm.s32 @!p0 $0x1  }
0x5e: {  	_ =	swait.ge @!p0 [sflag:s0], s1  }
0x5f: {  	s1 =	ssub.s32 @!p0 $0x0, s1;
	[sflag:s0] =	ssyncset.done @!p0 $0x0  }
0x60: {  	[sflag:s0] =	ssyncadd.s32 @!p0 s1  }
0x61: {  	[bflag:$0x3] =	sbarrier.arrive $0xFFFF  }
0x62: {  	_ =	shalt  }

// kernel: kernel.8.cloned.1.call-start
scs
__scs_entry_jumppad:
0x0: {  	(pc) =	sbr.rel $0x88, $3  }
0x1: {  	(tag) =	ssettag $0x0;
	lr =	simm.s32 $0x1  }
0x2: {  	[smem:$0x3F99] =	sst lr;
	_ =	strace $0xD0000000  }
0x3: {  	_ = 	snop  }
0x4: {  	_ = 	snop  }
0x5: {  	_ = 	snop  }
0x6: {  	_ = 	snop  }
0x7: {  	_ = 	snop  }
__scs_overlays_trampoline_lowered:
0x8: {  	[smem:$0x3FA8] =	sst s0  }
0x9: {  	[smem:$0x3FA9] =	sst s1  }
0xa: {  	[smem:$0x3FAA] =	sst s2  }
0xb: {  	[smem:$0x3FAB] =	sst s3  }
0xc: {  	[smem:$0x3FAC] =	sst s4  }
0xd: {  	[smem:$0x3FAD] =	sst s5  }
0xe: {  	[smem:$0x3FAE] =	sst s6  }
0xf: {  	[smem:$0x3FAF] =	sst s7  }
0x10: {  	[smem:$0x3FB0] =	sst s8  }
0x11: {  	[smem:$0x3FB1] =	sst s9;
	s0 =	simm.s32 @!p0 $0x0  }
0x12: {  	s1 =	sld [smem:$0x3F97];
	s0 =	simm.s32 @p0 $0x1  }
0x13: {  	[smem:$0x3FB2] =	sst s0;
	s0 =	simm.s32 @!p1 $0x0  }
0x14: {  	s2 =	sld [smem:$0x3F96];
	s0 =	simm.s32 @p1 $0x1  }
0x15: {  	[smem:$0x3FB3] =	sst s0;
	s0 =	simm.s32 @!p2 $0x0  }
0x16: {  	s3 =	sld [smem:$0x3FDB];
	s0 =	simm.s32 @p2 $0x1  }
0x17: {  	s4 =	simm.s32 $0x1BF5;
	[smem:$0x3FB5] =	sst s0  }
0x18: {  	s0 =	sld [smem:$0x3F98];
	_ =	swait.ge [sflag:s4], $0x0  }
0x19: {  	s7 =	sld [smem:$0x3F99]  }
0x1a: {  	s8 =	sadd.s32 $0xFFFFE003, lr  }
0x1b: {  	s9 =	sadd.s32 $0xFFFFFEF7, lr;
	s5 =	simm.s32 $0xFFFFFFFF;
	p2 =	slt.u32 s8, $0xFFFFF086  }
0x1c: {  	p1 =	slt.u32 s9, $0xF7A;
	s5 =	simm.s32 @!p2 $0x0  }
0x1d: {  	s5 =	simm.s32 @p1 $0x1;
	p0 =	seq.s32 s7, s2  }
0x1e: {  	s7 =	smul.u32 @!p0 $0xF7A, s2;
	p2 =	seq.s32 @!p0 s5, $0x0  }
0x1f: {  	s9 =	smul.u32 $0xF7A, s1;
	s8 =	simm.s32 @!p0 $0x1BF5;
	p2 =	por !p2, p0  }
0x20: {  	[sflag:s8] =	ssyncset.s32 @!p0 $0xFFFFF086;
	s6 =	sadd.s32 @!p0 s3, s7;
	s7 =	simm.s32 @!p0 $0x108  }
0x21: {  	s3 =	sadd.s32 s3, s9;
	s6 =	sadd.s32 @!p0 $0x88, s6;
	s7 =	simm.s32 @p2 $0x1082  }
0x22: {  	[simem:s7], [sflag:s8] =	dma.local @!p0 [hbm:s6], $0xF7A  }
0x23: {  	s9 =	sor.u32 $0xD0000000, s2;
	s6 =	simm.s32 $0x108;
	_ =	swait.ge @!p0 [sflag:s8], $0x0  }
0x24: {  	s3 =	sadd.s32 $0x88, s3;
	s6 =	simm.s32 @!p1 $0x1082;
	[sflag:s4] =	ssyncset.s32 $0xFFFFF086  }
0x25: {  	[simem:s6], [sflag:s4] =	dma.local [hbm:s3], $0xF7A  }
0x26: {  	[smem:$0x3F99] =	sst s1;
	(tag) =	ssettag s2;
	_ =	strace s9  }
0x27: {  	s1 =	sld [smem:$0x3FA9]  }
0x28: {  	s2 =	sld [smem:$0x3FAA]  }
0x29: {  	s4 =	sld [smem:$0x3FAC]  }
0x2a: {  	p0 =	seq.s32 s5, $0x0;
	s5 =	sld [smem:$0x3FAD]  }
0x2b: {  	s6 =	sld [smem:$0x3FAE]  }
0x2c: {  	s7 =	sld [smem:$0x3FAF]  }
0x2d: {  	s3 =	simm.s32 $0x108;
	s8 =	sld [smem:$0x3FB0]  }
0x2e: {  	s3 =	simm.s32 @!p0 $0x1082;
	s9 =	sld [smem:$0x3FB1]  }
0x2f: {  	lr =	sadd.s32 s0, s3;
	s0 =	sld [smem:$0x3FA8]  }
0x30: {  	s3 =	sld [smem:$0x3FAB]  }
0x31: {  	[smem:$0x3FB4] =	sst s10  }
0x32: {  	s10 =	sld [smem:$0x3FB2];
	_ =	sdelay $0x3  }
0x33: {  	p0 =	seq.s32 s10, $0x1;
	s10 =	sld [smem:$0x3FB4];
	_ =	sdelay $0x3  }
0x34: {  	[smem:$0x3FB4] =	sst s10  }
0x35: {  	s10 =	sld [smem:$0x3FB3];
	_ =	sdelay $0x3  }
0x36: {  	p1 =	seq.s32 s10, $0x1;
	s10 =	sld [smem:$0x3FB4];
	_ =	sdelay $0x3  }
0x37: {  	[smem:$0x3FB4] =	sst s10  }
0x38: {  	s10 =	sld [smem:$0x3FB5]  }
0x39: {  	_ = 	snop;
	(pc) =	sbr.ind lr, $3  }
0x3a: {  	_ = 	snop  }
0x3b: {  	_ = 	snop  }
0x3c: {  	p2 =	seq.s32 s10, $0x1;
	s10 =	sld [smem:$0x3FB4]  }
0x3d: {  	_ =	shalt  }
0x3e: {  	_ =	shalt  }
0x3f: {  	_ =	shalt  }
0x40: {  	_ =	shalt  }
0x41: {  	_ =	shalt  }
0x42: {  	_ =	shalt  }
0x43: {  	_ =	shalt  }
0x44: {  	_ =	shalt  }
0x45: {  	_ =	shalt  }
0x46: {  	_ =	shalt  }
0x47: {  	_ =	shalt  }
0x48: {  	_ =	shalt  }
0x49: {  	_ =	shalt  }
0x4a: {  	_ =	shalt  }
0x4b: {  	_ =	shalt  }
0x4c: {  	_ =	shalt  }
0x4d: {  	_ =	shalt  }
0x4e: {  	_ =	shalt  }
0x4f: {  	_ =	shalt  }
0x50: {  	_ =	shalt  }
0x51: {  	_ =	shalt  }
0x52: {  	_ =	shalt  }
0x53: {  	_ =	shalt  }
0x54: {  	_ =	shalt  }
0x55: {  	_ =	shalt  }
0x56: {  	_ =	shalt  }
0x57: {  	_ =	shalt  }
0x58: {  	_ =	shalt  }
0x59: {  	_ =	shalt  }
0x5a: {  	_ =	shalt  }
0x5b: {  	_ =	shalt  }
0x5c: {  	_ =	shalt  }
0x5d: {  	_ =	shalt  }
0x5e: {  	_ =	shalt  }
0x5f: {  	_ =	shalt  }
0x60: {  	_ =	shalt  }
0x61: {  	_ =	shalt  }
0x62: {  	_ =	shalt  }
0x63: {  	_ =	shalt  }
0x64: {  	_ =	shalt  }
0x65: {  	_ =	shalt  }
0x66: {  	_ =	shalt  }
0x67: {  	_ =	shalt  }
0x68: {  	_ =	shalt  }
0x69: {  	_ =	shalt  }
0x6a: {  	_ =	shalt  }
0x6b: {  	_ =	shalt  }
0x6c: {  	_ =	shalt  }
0x6d: {  	_ =	shalt  }
0x6e: {  	_ =	shalt  }
0x6f: {  	_ =	shalt  }
0x70: {  	_ =	shalt  }
0x71: {  	_ =	shalt  }
0x72: {  	_ =	shalt  }
0x73: {  	_ =	shalt  }
0x74: {  	_ =	shalt  }
0x75: {  	_ =	shalt  }
0x76: {  	_ =	shalt  }
0x77: {  	_ =	shalt  }
0x78: {  	_ =	shalt  }
0x79: {  	_ =	shalt  }
0x7a: {  	_ =	shalt  }
0x7b: {  	_ =	shalt  }
0x7c: {  	_ =	shalt  }
0x7d: {  	_ =	shalt  }
0x7e: {  	_ =	shalt  }
0x7f: {  	_ =	shalt  }
0x80: {  	_ =	shalt  }
0x81: {  	_ =	shalt  }
0x82: {  	_ =	shalt  }
0x83: {  	_ =	shalt  }
0x84: {  	_ =	shalt  }
0x85: {  	_ =	shalt  }
0x86: {  	_ =	shalt  }
0x87: {  	_ =	shalt  }
.Lfunc_end0:
.L_simem_size_0:
called_computation_lowered:
.L_overlay_start_0:
0x88: {  	s2 =	sld [smem:$0x3FD9]  }
0x89: {  	s3 =	sld [smem:$0x3FFE];
	_ =	sdelay $0x1  }
0x8a: {  	s1 =	srdreg.scid  }
0x8b: {  	s0 =	sand.u32 $0x1, s1  }
0x8c: {  	s15 =	sshll.u32 s0, $0xA;
	s2 =	sadd.s32 s3, s2  }
0x8d: {  	s2 =	sadd.s32 s2, s15  }
0x8e: {  	[smem:$0x3FC0] =	sst s2  }
0x8f: {  	_ = 	snop  }
0x90: {  	s2 =	sld [smem:$0x3FD0];
	_ =	sdelay $0x2  }
0x91: {  	s4 =	simm.s32 $0xB;
	s16 =	simm.s32 $0x10  }
0x92: {  	[smem:s16], [sflag:s4] =	dma.local [hbm:s2], $0x1  }
0x93: {  	_ =	swait.eq [sflag:s4], $0x1  }
0x94: {  	[sflag:s4] =	ssyncset.done $0x0  }
0x95: {  	s17 =	sld [smem:$0x10];
	[sflag:s4] =	ssyncadd.s32 $0xFFFFFFFF  }
0x96: {  	s18 =	sld [smem:$0x11];
	(tm) =	ssettm $0x1  }
0x97: {  	s19 =	sld [smem:$0x3FFB];
	_ =	sdelay $0x3  }
0x98: {  	_ =	strace s19  }
0x99: {  	s2 =	sld [smem:$0x3FFC];
	_ =	sdelay $0x3  }
0x9a: {  	_ =	strace s2  }
0x9b: {  	s2 =	sld [smem:$0x3FFD];
	_ =	sdelay $0x3  }
0x9c: {  	_ =	strace s2  }
0x9d: {  	_ =	strace $0x8FFFFFFF  }
0x9e: {  	s20 =	sld [smem:$0x3FDB];
	_ =	sdelay $0x1  }
0x9f: {  	s5 =	simm.s32 $_scs_section_size  }
0xa0: {  	s6 =	simm.s32 $_size__tile_overlayer_lowered;
	s7 =	simm.s32 $_tile_overlayer_lowered  }
0xa1: {  	s8 =	simm.s32 $0x1BFF;
	s21 =	sshll.u32 s7, $0x1;
	s5 =	sadd.s32 s5, s20  }
0xa2: {  	s22 =	simm.s32 $0x0;
	s6 =	sshll.u32 s6, $0x1;
	s7 =	sadd.s32 s21, s5  }
0xa3: {  	[timem:s22], [sflag:s8] =	dma.local [hbm:s7], s6  }
0xa4: {  	_ =	swait.ge [sflag:s8], s6  }
0xa5: {  	s6 =	ssub.s32 $0x0, s6;
	[sflag:s8] =	ssyncset.done $0x0  }
0xa6: {  	[sflag:s8] =	ssyncadd.s32 s6;
	_ =	sdelay $0x1  }
0xa7: {  	s23 =	simm.s32 $0x1B8B  }
0xa8: {  	_ =	swait.ge [sflag:s23], $0x1  }
0xa9: {  	[sflag:s23] =	ssyncset.done $0x0  }
0xaa: {  	[sflag:s23] =	ssyncadd.s32 $0xFFFFFFFF  }
0xab: {  	s6 =	sld [smem:$0x0]  }
0xac: {  	s7 =	sand.u32 $0xFFFFFFFE, s1  }
0xad: {  	p0 =	sne.s32 s1, s7  }
0xae: {  	s7 =	sshll.u32 @p0 s7, $0xE  }
0xaf: {  	s7 =	sadd.s32 @p0 $0x11B8D, s7;
	s8 =	sshll.u32 @p0 s6, $0x11  }
0xb0: {  	s7 =	sor.u32 @p0 s8, s7  }
0xb1: {  	[sflag:s7] =	ssyncadd.remote.s32 @p0 $0x1;
	_ =	sdelay $0x1  }
0xb2: {  	s7 =	simm.s32 @p0 $0x1B8D  }
0xb3: {  	_ =	swait.eq @p0 [sflag:s7], $0x1  }
0xb4: {  	[sflag:s7] =	ssyncadd.s32 @p0 $0xFFFFFFFF  }
0xb5: {  	s8 =	sshll.u32 @!p0 s1, $0xE  }
0xb6: {  	s8 =	sor.u32 @!p0 $0x4000, s8;
	s7 =	simm.s32 @!p0 $0x1B8D  }
0xb7: {  	s6 =	sshll.u32 @!p0 s6, $0x11;
	s8 =	sadd.s32 @!p0 $0x11B8D, s8;
	_ =	swait.eq @!p0 [sflag:s7], $0x1  }
0xb8: {  	s6 =	sor.u32 @!p0 s6, s8;
	[sflag:s7] =	ssyncadd.s32 @!p0 $0xFFFFFFFF  }
0xb9: {  	s25 =	simm.s32 $0x1B8E;
	s24 =	sld [smem:$0x3FFE];
	[sflag:s6] =	ssyncadd.remote.s32 @!p0 $0x1  }
0xba: {  	s26 =	simm.s32 $execute0_lowered;
	[smem:$0x3FD2] =	sst s25  }
0xbb: {  	s7 =	sshll.u32 s26, $0x1;
	_ =	strace $0x80000049;
	[dreg:$0x1] =	wrdreg $0xFFFFFFFF  }
0xbc: {  	s28 =	simm.s32 $_size_execute0_lowered;
	s5 =	sadd.s32 s5, s7;
	[dreg:$0x0] =	wrdreg $0x0  }
0xbd: {  	s7 =	sshll.u32 s28, $0x1;
	[dreg:$0x2] =	wrdreg s5  }
0xbe: {  	[dreg:$0x3] =	wrdreg s7  }
0xbf: {  	[dreg:$0x4] =	wrdreg $0xC0  }
0xc0: {  	_ =	task [dreg:s22], $0x5FFFF  }
0xc1: {  	[dreg:$0x1] =	wrdreg $0xFFFFFFFF  }
0xc2: {  	[dreg:$0x0] =	wrdreg $0x60  }
0xc3: {  	[dreg:$0x2] =	wrdreg s24  }
0xc4: {  	[dreg:$0x3] =	wrdreg s17  }
0xc5: {  	[dreg:$0x4] =	wrdreg s18  }
0xc6: {  	[dreg:$0x5] =	wrdreg $0x89800  }
0xc7: {  	[dreg:$0x6] =	wrdreg $0x9  }
0xc8: {  	_ =	task.clear_ibuf [dreg:s22], $0x7FFFF;
	_ =	strace $0x90000049  }
0xc9: {  	s29 =	simm.s32 $0x9;
	_ =	strace $0x8000004B  }
0xca: {  	_ =	swait.ge [sflag:s29], $0x1  }
0xcb: {  	[sflag:s29] =	ssyncadd.s32 $0xFFFFFFFF  }
0xcc: {  	_ =	strace $0x9000004B  }
0xcd: {  	_ =	sfence  }
0xce: {  	s30 =	sld [smem:$0x0];
	_ =	sdelay $0x2  }
0xcf: {  	s31 =	sshll.u32 s1, $0xD;
	s1 =	sshrl.u32 s1, $0x2  }
0xd0: {  	s4 =	sand.u32 $0x4000, s31;
	s1 =	sadd.s32 s1, s30  }
0xd1: {  	s0 =	sor.u32 s4, s0;
	s1 =	sshll.u32 s1, $0x11  }
0xd2: {  	s0 =	sor.u32 s1, s0  }
0xd3: {  	s0 =	sadd.s32 $0x8F2B, s0  }
0xd4: {  	[sflag:s0] =	ssyncadd.remote.s32 $0x1  }
0xd5: {  	_ =	sfence.sel $0xFFFF  }
0xd6: {  	[dreg:$0x0] =	wrdreg $0xFFFFFFFF;
	(pc) =	sbr.abs _section_cstart, $3  }
0xd7: {  	[dreg:$0x1] =	wrdreg $0xFFFFFFFF  }
0xd8: {  	_ =	task.clear_ibuf [dreg:s22], $0x2FFFF;
	_ =	strace $0x9FFFFFFF  }
0xd9: {  	(tm) =	ssettm $0x7FFFFFFF  }
tec
execute0_lowered:
.L_overlay_start_1:
0x0: {  	(tag) =	ssettag $0x1  }
0x1: {  	s0 =	rddreg [dreg:$0x0]  }
0x2: {  	s3 =	rddreg [dreg:$0x1]  }
0x3: {  	s6 =	rddreg [dreg:$0x2]  }
0x4: {  	s1 =	rddreg [dreg:$0x3];
	s2 =	simm.s32 $0x0;
	s4 =	srdreg.scid  }
0x5: {  	s22 =	stileid.u32;
	s28 =	simm.s32 $0x2;
	s31 =	simm.s32 $0x0  }
0x6: {  	[smem:$0x7FF] =	sst s2;
	s12 =	sand.u32 $0x1, s4;
	s4 =	sadd.s32 $0xC600, s0  }
0x7: {  	s13 =	smul.u32 $0x13C00, s22;
	s5 =	sadd.s32 $0xA8A00, s0;
	s0 =	sadd.s32 $0xA9200, s0  }
0x8: {  	s19 =	sshll.u32 s22, $0x6;
	_ =	strace $0x8000004A;
	s7 =	ssub.s32 $0x2, s12  }
0x9: {  	p0 =	seq.s32 s12, $0x0;
	s8 =	sshrl.u32 s7, $0x1;
	s18 =	sadd.s32 s13, s1  }
0xa: {  	s14 =	sadd.s32 $0x4000, s13;
	s15 =	sadd.s32 $0x8000, s13;
	s16 =	sadd.s32 $0xC000, s13  }
0xb: {  	s17 =	ssub.s32 s7, s8;
	[dreg:$0x5] =	wrdreg s18;
	s7 =	sor.u32 $0x1C03, s19  }
0xc: {  	s20 =	sadd.s32 s14, s1;
	s9 =	sadd.s32 s15, s1;
	s18 =	smul.u32 $0x2BC0, s22  }
0xd: {  	s10 =	sadd.s32 s16, s1;
	s19 =	sadd.s32 $0x10000, s13;
	s22 =	smul.u32 $0x578, s22  }
0xe: {  	[dreg:$0x6] =	wrdreg s20;
	s20 =	smul.u32 $0x13C000, s12;
	s21 =	sshrl.u32 s18, $0x3  }
0xf: {  	s11 =	sadd.s32 s19, s1;
	s17 =	smax.u32 s17, $0x1;
	s21 =	sadd.s32 $0x5780, s21  }
0x10: {  	s23 =	sadd.s32 s13, s20;
	s24 =	sadd.s32 s20, s14;
	s25 =	sadd.s32 s20, s15  }
0x11: {  	s26 =	sadd.s32 s20, s16;
	s29 =	sadd.s32 s20, s19;
	s19 =	simm.s32 $0x57800  }
0x12: {  	s20 =	simm.s32 $0x3;
	s12 =	sshrl.u32 s23, $0x3;
	s13 =	sshrl.u32 s24, $0x3  }
0x13: {  	s14 =	sshrl.u32 s25, $0x3;
	s15 =	sshrl.u32 s26, $0x3;
	s16 =	sshrl.u32 s29, $0x3  }
0x14: {  	s19 =	simm.s32 @!p0 $0x83400;
	s21 =	smov.u32 @p0 s22;
	s22 =	simm.s32 $0x32  }
0x15: {  	s23 =	simm.s32 $0x5780;
	s25 =	simm.s32 $0x7080;
	s12 =	sadd.s32 s0, s12  }
0x16: {  	s13 =	sadd.s32 s0, s13;
	s14 =	sadd.s32 s0, s14;
	s30 =	sadd.s32 s19, s18  }
0x17: {  	s15 =	sadd.s32 s0, s15;
	s16 =	sadd.s32 s0, s16;
	s0 =	sshrl.u32 s30, $0x3  }
0x18: {  	s26 =	simm.s32 $0x1;
	s18 =	sadd.s32 s3, s21;
	s19 =	sadd.s32 s6, s0  }
.LBB2_1:
0x19: {  	s0 =	rddreg [dreg:$0x5]  }
0x1a: {  	s0 =	sshrl.u32 s0, $0x3  }
0x1b: {  	[spmem:s0], [sflag:s7] =	dma.local [hbm:s5], $0x800  }
0x1c: {  	_ =	swait.ge [sflag:s20], $0x800  }
0x1d: {  	[sflag:s20] =	ssyncset.done $0x0;
	s3 =	rddreg [dreg:$0x6]  }
0x1e: {  	[sflag:s20] =	ssyncadd.s32 $0xFFFFF800;
	s3 =	sshrl.u32 s3, $0x3  }
0x1f: {  	[spmem:s3], [sflag:s7] =	dma.local [hbm:s5], $0x800  }
0x20: {  	_ =	swait.ge [sflag:s20], $0x800  }
0x21: {  	[sflag:s20] =	ssyncset.done $0x0  }
0x22: {  	s21 =	sshrl.u32 s9, $0x3;
	[sflag:s20] =	ssyncadd.s32 $0xFFFFF800  }
0x23: {  	[spmem:s21], [sflag:s7] =	dma.local [hbm:s5], $0x800  }
0x24: {  	_ =	swait.ge [sflag:s20], $0x800  }
0x25: {  	[sflag:s20] =	ssyncset.done $0x0  }
0x26: {  	s24 =	sshrl.u32 s10, $0x3;
	[sflag:s20] =	ssyncadd.s32 $0xFFFFF800  }
0x27: {  	[spmem:s24], [sflag:s7] =	dma.local [hbm:s5], $0x800  }
0x28: {  	_ =	swait.ge [sflag:s20], $0x800  }
0x29: {  	[sflag:s20] =	ssyncset.done $0x0  }
0x2a: {  	s29 =	sshrl.u32 s11, $0x3;
	[sflag:s20] =	ssyncadd.s32 $0xFFFFF800  }
0x2b: {  	[spmem:s29], [sflag:s7] =	dma.local [hbm:s5], $0x780  }
0x2c: {  	_ =	swait.ge [sflag:s20], $0x780  }
0x2d: {  	[sflag:s20] =	ssyncset.done $0x0  }
0x2e: {  	[sflag:s20] =	ssyncadd.s32 $0xFFFFF880  }
0x2f: {  	[tilespmem:s2], [sflag:$0x3] =	stream.linear.gather [hbm4b:s18+s2], $0x2BC0, $0x38;
	[tilespmem:$0x1C580] =	vst v63  }
0x30: {  	_ =	swait.ge [sflag:s20], $0x2BC0  }
0x31: {  	[sflag:s20] =	ssyncset.done $0x0  }
0x32: {  	s6 =	simm.s32 $0x2BC0;
	[sflag:s20] =	ssyncadd.s32 $0xFFFFD440  }
0x33: {  	[tilespmem:s6], [sflag:$0x3] =	stream.linear.gather [hbm4b:s19+s2], $0x2BC0, $0x38;
	[tilespmem:$0x1C580] =	vst v63  }
0x34: {  	_ =	swait.ge [sflag:s20], $0x2BC0  }
0x35: {  	[sflag:s20] =	ssyncset.done $0x0  }
0x36: {  	[sflag:s20] =	ssyncadd.s32 $0xFFFFD440  }
0x37: {  	[bflag:$0x0] =	sbarrier.arrive $0xFFFF  }
0x38: {  	[tilespmem:s23], [sflag:$0x1] =	stream.indirect.gather [hbm4b:s4+s22], $0x80, s2, s22, $0xb8;
	[tilespmem:$0x1C580] =	vst v63  }
0x39: {  	s8 =	simm.s32 $0x38  }
0x3a: {  	[tilespmem:s25], [sflag:$0x2] =	stream.indirect.gather [hbm4b:s4+s22], $0x80, s8, s22, $0xb8;
	[tilespmem:$0x1C580] =	vst v63  }
0x3b: {  	_ =	swait.ge [sflag:s26], $0x1900  }
0x3c: {  	[sflag:s26] =	ssyncset.done $0x0  }
0x3d: {  	s8 =	simm.s32 $0x2BC0;
	[sflag:s26] =	ssyncadd.s32 $0xFFFFE700  }
0x3e: {  	[spmem:s1] =	stream.indirect.scatter.add.f32 [tilespmem:s23], [sflag:$0x3], $0x80, s8, s22, $0xb8;
	[tilespmem:$0x1C580] =	vst v63  }
0x3f: {  	_ =	swait.ge [sflag:s20], $0x1900  }
0x40: {  	[sflag:s20] =	ssyncset.done $0x0  }
0x41: {  	s8 =	simm.s32 $0x70;
	[sflag:s20] =	ssyncadd.s32 $0xFFFFE700  }
0x42: {  	[tilespmem:s23], [sflag:$0x1] =	stream.indirect.gather [hbm4b:s4+s22], $0x80, s8, s22, $0xb8;
	[tilespmem:$0x1C580] =	vst v63  }
0x43: {  	_ =	swait.ge [sflag:s28], $0x1900  }
0x44: {  	[sflag:s28] =	ssyncset.done $0x0  }
0x45: {  	s8 =	simm.s32 $0x2BF8;
	[sflag:s28] =	ssyncadd.s32 $0xFFFFE700  }
0x46: {  	[spmem:s1] =	stream.indirect.scatter.add.f32 [tilespmem:s25], [sflag:$0x3], $0x80, s8, s22, $0xb8;
	[tilespmem:$0x1C580] =	vst v63  }
0x47: {  	_ =	swait.ge [sflag:s20], $0x1900  }
0x48: {  	[sflag:s20] =	ssyncset.done $0x0  }
0x49: {  	s30 =	simm.s32 $0x1C0;
	s6 =	simm.s32 $0xA8;
	[sflag:s20] =	ssyncadd.s32 $0xFFFFE700  }
.LBB2_2:
0x4a: {  	[tilespmem:s25], [sflag:$0x2] =	stream.indirect.gather [hbm4b:s4+s22], $0x80, s6, s22, $0xb8;
	[tilespmem:$0x1C580] =	vst v63  }
0x4b: {  	s6 =	smov.u32 s30  }
0x4c: {  	p0 =	sne.s32 s30, $0xAB80;
	s30 =	sadd.s32 $0x1C0, s30;
	_ =	swait.ge [sflag:s26], $0x1900  }
0x4d: {  	s6 =	sshra.s32 s6, $0x2;
	[sflag:s26] =	ssyncset.done $0x0  }
0x4e: {  	s8 =	sadd.s32 $0x2BC0, s6;
	[sflag:s26] =	ssyncadd.s32 $0xFFFFE700  }
0x4f: {  	[spmem:s1] =	stream.indirect.scatter.add.f32 [tilespmem:s23], [sflag:$0x3], $0x80, s8, s22, $0xb8;
	[tilespmem:$0x1C580] =	vst v63  }
0x50: {  	_ =	swait.ge [sflag:s20], $0x1900  }
0x51: {  	[sflag:s20] =	ssyncset.done $0x0  }
0x52: {  	s8 =	sadd.s32 $0x70, s6;
	[sflag:s20] =	ssyncadd.s32 $0xFFFFE700  }
0x53: {  	[tilespmem:s23], [sflag:$0x1] =	stream.indirect.gather [hbm4b:s4+s22], $0x80, s8, s22, $0xb8;
	[tilespmem:$0x1C580] =	vst v63  }
0x54: {  	_ =	swait.ge [sflag:s28], $0x1900  }
0x55: {  	[sflag:s28] =	ssyncset.done $0x0  }
.Ltmp0:
0x56: {  	s8 =	sadd.s32 $0x2BF8, s6;
	[sflag:s28] =	ssyncadd.s32 $0xFFFFE700;
	(pc) =	sbr.rel @p0 .LBB2_2-.Ltmp0, $4  }
0x57: {  	[spmem:s1] =	stream.indirect.scatter.add.f32 [tilespmem:s25], [sflag:$0x3], $0x80, s8, s22, $0xb8;
	[tilespmem:$0x1C580] =	vst v63  }
0x58: {  	_ =	swait.ge [sflag:s20], $0x1900  }
0x59: {  	[sflag:s20] =	ssyncset.done $0x0  }
0x5a: {  	s6 =	sadd.s32 $0xA8, s6;
	[sflag:s20] =	ssyncadd.s32 $0xFFFFE700  }
0x5b: {  	[tilespmem:s25], [sflag:$0x2] =	stream.indirect.gather [hbm4b:s4+s22], $0x80, s6, s22, $0xb8;
	[tilespmem:$0x1C580] =	vst v63  }
0x5c: {  	_ =	swait.ge [sflag:s26], $0x1900  }
0x5d: {  	[sflag:s26] =	ssyncset.done $0x0  }
0x5e: {  	s8 =	simm.s32 $0x5710;
	[sflag:s26] =	ssyncadd.s32 $0xFFFFE700  }
0x5f: {  	[spmem:s1] =	stream.indirect.scatter.add.f32 [tilespmem:s23], [sflag:$0x3], $0x80, s8, s22, $0xb8;
	[tilespmem:$0x1C580] =	vst v63  }
0x60: {  	_ =	swait.ge [sflag:s20], $0x1900  }
0x61: {  	[sflag:s20] =	ssyncset.done $0x0  }
0x62: {  	[sflag:s20] =	ssyncadd.s32 $0xFFFFE700  }
0x63: {  	_ =	swait.ge [sflag:s28], $0x1900  }
0x64: {  	[sflag:s28] =	ssyncset.done $0x0  }
0x65: {  	s30 =	simm.s32 $0x5748;
	[sflag:s28] =	ssyncadd.s32 $0xFFFFE700  }
0x66: {  	[spmem:s1] =	stream.indirect.scatter.add.f32 [tilespmem:s25], [sflag:$0x3], $0x80, s30, s22, $0xb8;
	[tilespmem:$0x1C580] =	vst v63  }
0x67: {  	_ =	swait.ge [sflag:s20], $0x1900  }
0x68: {  	[sflag:s20] =	ssyncset.done $0x0  }
0x69: {  	[sflag:s20] =	ssyncadd.s32 $0xFFFFE700  }
0x6a: {  	[bflag:$0x0] =	sbarrier.arrive $0xFFFF  }
0x6b: {  	[hbm:s12], [sflag:s7] =	dma.local [spmem:s0], $0x800  }
0x6c: {  	_ =	swait.ge [sflag:s20], $0x800  }
0x6d: {  	[sflag:s20] =	ssyncset.done $0x0  }
0x6e: {  	[sflag:s20] =	ssyncadd.s32 $0xFFFFF800  }
0x6f: {  	[hbm:s13], [sflag:s7] =	dma.local [spmem:s3], $0x800  }
0x70: {  	_ =	swait.ge [sflag:s20], $0x800  }
0x71: {  	[sflag:s20] =	ssyncset.done $0x0  }
0x72: {  	[sflag:s20] =	ssyncadd.s32 $0xFFFFF800  }
0x73: {  	[hbm:s14], [sflag:s7] =	dma.local [spmem:s21], $0x800  }
0x74: {  	_ =	swait.ge [sflag:s20], $0x800  }
0x75: {  	[sflag:s20] =	ssyncset.done $0x0  }
0x76: {  	[sflag:s20] =	ssyncadd.s32 $0xFFFFF800  }
0x77: {  	[hbm:s15], [sflag:s7] =	dma.local [spmem:s24], $0x800  }
0x78: {  	s31 =	sadd.s32 $0x1, s31;
	_ =	swait.ge [sflag:s20], $0x800  }
0x79: {  	p0 =	sne.s32 s31, s17;
	[sflag:s20] =	ssyncset.done $0x0  }
.Ltmp1:
0x7a: {  	[sflag:s20] =	ssyncadd.s32 $0xFFFFF800;
	(pc) =	sbr.rel @p0 .LBB2_1-.Ltmp1, $4  }
0x7b: {  	[hbm:s16], [sflag:s7] =	dma.local [spmem:s29], $0x780  }
0x7c: {  	_ =	swait.ge [sflag:s20], $0x780  }
0x7d: {  	[sflag:s20] =	ssyncset.done $0x0  }
0x7e: {  	[sflag:s20] =	ssyncadd.s32 $0xFFFFF880  }
0x7f: {  	_ =	sfence.sel $0x180000  }
0x80: {  	[bflag:$0x0] =	sbarrier.arrive $0xFFFF  }
0x81: {  	_ =	strace $0x9000004A  }
0x82: {  	s0 =	stileid.u32;
	[bflag:$0x2] =	sbarrier.arrive $0xFFFF  }
0x83: {  	p0 =	sne.s32 s0, $0x0;
	s0 =	rddreg [dreg:$0x4]  }
0x84: {  	s0 =	sadd.s32 @!p0 $0x100000, s0  }
0x85: {  	[sflag:s0] =	ssyncadd.tile.s32 @!p0 $0x1;
	_ =	shalt  }
.Lfunc_end2:
_tile_overlayer_lowered:
.L_overlay_start_2:
0x86: {  	(tag) =	ssettag $0x2  }
0x87: {  	s0 =	rddreg [dreg:$0x0];
	s2 =	stileid.u32  }
0x88: {  	s1 =	rddreg [dreg:$0x1];
	p0 =	sne.s32 s2, $0x0  }
0x89: {  	s3 =	rddreg [dreg:$0x2];
	[bflag:$0x3] =	sbarrier.arrive $0xFFFF;
	s2 =	simm.s32 @!p0 $0x1C03  }
0x8a: {  	[timem:s3], [sflag:s2] =	dma.local @!p0 [hbm:s0], s1  }
0x8b: {  	s0 =	simm.s32 @!p0 $0x3  }
0x8c: {  	_ =	swait.ge @!p0 [sflag:s0], s1  }
0x8d: {  	s1 =	ssub.s32 @!p0 $0x0, s1;
	[sflag:s0] =	ssyncset.done @!p0 $0x0  }
0x8e: {  	[sflag:s0] =	ssyncadd.s32 @!p0 s1  }
0x8f: {  	[bflag:$0x3] =	sbarrier.arrive $0xFFFF  }
0x90: {  	_ =	shalt  }

</sc_bundles>
